<compile_context>
chip_gen: v7x
topology: tpu7x:2x2x1
jax: 0.10.2.dev20260603
libtpu: 0.0.44.dev20260713+nightly
codegen_flags: <defaults>
</compile_context>

<pallas_src>
import functools

import jax
import jax.numpy as jnp
from jax import lax
from jax.experimental import pallas as pl
from jax.experimental.pallas import tpu as pltpu
from jax.experimental.pallas import tpu_sc as plsc

N_NODES = 10000
N_EDGES = 320000
IN_DIM = 128
HID_DIM = 128
OUT_DIM = 64

NP = 10240
NC = 2
NS = 16
NW = NC * NS
CHUNK = 128
NCH = 79
EPW = NCH * CHUNK
EP = NW * EPW
STRIPE = NP // NS


def _worker_ids():
    c = lax.axis_index("c")
    s = lax.axis_index("s")
    return c, s, c * NS + s


def _fill_vmem_1d(ref, n, value):
    def body(i, carry):
        ref[pl.ds(i * 16, 16)] = jnp.full((16,), value, jnp.float32)
        return carry
    lax.fori_loop(0, n // 16, body, 0)


def _fill_vmem_2d(ref, rows, cols, value):
    per_row = cols // 16
    def body(i, carry):
        r = i // per_row
        col = (i % per_row) * 16
        ref[r, pl.ds(col, 16)] = jnp.full((16,), value, jnp.float32)
        return carry
    lax.fori_loop(0, rows * per_row, body, 0)



@functools.partial(
    pl.kernel,
    out_type=jax.ShapeDtypeStruct((NC, NP), jnp.float32),
    mesh=plsc.VectorSubcoreMesh(core_axis_name="c", subcore_axis_name="s"),
    scratch_types=[
        pltpu.VMEM((NCH, CHUNK), jnp.int32),
        pltpu.VMEM((CHUNK,), jnp.float32),
        pltpu.VMEM((STRIPE,), jnp.float32),
        pltpu.VMEM_SHARED((NP,), jnp.float32),
    ],
)
def _degree_kernel(dst_hbm, deg_out, idx_v, ones_v, zeros_v, deg_sh):
    c, s, w = _worker_ids()
    _fill_vmem_1d(zeros_v, STRIPE, 0.0)
    _fill_vmem_1d(ones_v, CHUNK, 1.0)
    pltpu.sync_copy(zeros_v, deg_sh.at[pl.ds(s * STRIPE, STRIPE)])
    plsc.subcore_barrier()

    pltpu.sync_copy(dst_hbm.at[w], idx_v)

    def body(ch, carry):
        pltpu.sync_copy(ones_v, deg_sh.at[idx_v.at[ch]], add=True)
        return carry
    lax.fori_loop(0, NCH, body, 0)

    plsc.subcore_barrier()
    pltpu.sync_copy(deg_sh.at[pl.ds(s * STRIPE, STRIPE)],
                    deg_out.at[c, pl.ds(s * STRIPE, STRIPE)])



def _make_scatter_kernel(d, tc_tiling=True):

    @functools.partial(
        pl.kernel,
        out_type=jax.ShapeDtypeStruct((NC, NP, d), jnp.float32),
        mesh=plsc.VectorSubcoreMesh(core_axis_name="c", subcore_axis_name="s"),
        compiler_params=pltpu.CompilerParams(use_tc_tiling_on_sc=tc_tiling),
        scratch_types=[
            pltpu.VMEM((NCH, CHUNK), jnp.int32),
            pltpu.VMEM((2, CHUNK), jnp.int32),
            pltpu.VMEM((2, CHUNK, d), jnp.float32),
            pltpu.VMEM_SHARED((NP, d), jnp.float32),
            pltpu.SemaphoreType.DMA,
            pltpu.SemaphoreType.DMA,
            pltpu.SemaphoreType.DMA,
        ],
    )
    def scatter_kernel(hs_hbm, src_hbm, dst_hbm, out_hbm,
                       src_v, dst_v, rows_v, acc_sh, gsem, isem, ssem):
        c, s, w = _worker_ids()
        _fill_vmem_2d(rows_v.at[0], CHUNK, d, 0.0)
        for j in range(STRIPE // CHUNK):
            pltpu.sync_copy(
                rows_v.at[0], acc_sh.at[pl.ds(s * STRIPE + j * CHUNK, CHUNK)])
        plsc.subcore_barrier()

        pltpu.sync_copy(src_hbm.at[w], src_v)

        pltpu.async_copy(hs_hbm.at[src_v.at[0]], rows_v.at[0], gsem)
        pltpu.async_copy(dst_hbm.at[w, 0], dst_v.at[0], isem)

        def body(ch, carry):
            b = ch % 2
            pltpu.make_async_copy(
                hs_hbm.at[src_v.at[ch]], rows_v.at[b], gsem).wait()
            pltpu.make_async_copy(
                dst_hbm.at[w, ch], dst_v.at[b], isem).wait()

            @pl.when(ch >= 1)
            def _free_bufs():
                pltpu.make_async_copy(
                    rows_v.at[b], acc_sh.at[dst_v.at[b]], ssem).wait()

            @pl.when(ch + 1 < NCH)
            def _prefetch():
                pltpu.async_copy(
                    hs_hbm.at[src_v.at[ch + 1]], rows_v.at[1 - b], gsem)
                pltpu.async_copy(dst_hbm.at[w, ch + 1], dst_v.at[1 - b], isem)

            pltpu.async_copy(
                rows_v.at[b], acc_sh.at[dst_v.at[b]], ssem, add=True)
            return carry
        lax.fori_loop(0, NCH, body, 0)

        pltpu.make_async_copy(
            rows_v.at[0], acc_sh.at[dst_v.at[0]], ssem).wait()

        plsc.subcore_barrier()
        pltpu.sync_copy(acc_sh.at[pl.ds(s * STRIPE, STRIPE)],
                        out_hbm.at[c, pl.ds(s * STRIPE, STRIPE)])

    return scatter_kernel


_scatter128 = _make_scatter_kernel(HID_DIM)


_scatter64 = _make_scatter_kernel(OUT_DIM, tc_tiling=False)



BR = 1024


def _dinv_of(deg_ref):
    deg = deg_ref[0, :] + deg_ref[1, :] + 1.0
    return lax.rsqrt(deg)


def _k1_body(x_ref, w_ref, deg_ref, o_ref):
    h = jnp.dot(x_ref[...], w_ref[...], preferred_element_type=jnp.float32)
    o_ref[...] = h * _dinv_of(deg_ref)[:, None]


def _k2_body(agg_ref, hs_ref, w_ref, deg_ref, b_ref, o_ref):
    dinv = _dinv_of(deg_ref)[:, None]
    tmp = agg_ref[0] + agg_ref[1] + hs_ref[...]
    u = jnp.maximum(tmp * dinv + b_ref[...], 0.0)
    h2 = jnp.dot(u, w_ref[...], preferred_element_type=jnp.float32)
    o_ref[...] = h2 * dinv


def _k3_body(agg_ref, hs_ref, deg_ref, b_ref, o_ref):
    dinv = _dinv_of(deg_ref)[:, None]
    o_ref[...] = (agg_ref[0] + agg_ref[1] + hs_ref[...]) * dinv + b_ref[...]


def _tc_k1(x_p, w1, deg_parts):
    return pl.pallas_call(
        _k1_body,
        grid=(NP // BR,),
        in_specs=[
            pl.BlockSpec((BR, IN_DIM), lambda i: (i, 0)),
            pl.BlockSpec((IN_DIM, HID_DIM), lambda i: (0, 0)),
            pl.BlockSpec((NC, BR), lambda i: (0, i)),
        ],
        out_specs=pl.BlockSpec((BR, HID_DIM), lambda i: (i, 0)),
        out_shape=jax.ShapeDtypeStruct((NP, HID_DIM), jnp.float32),
    )(x_p, w1, deg_parts)


def _tc_k2(agg1, hs1, w2, deg_parts, b1):
    return pl.pallas_call(
        _k2_body,
        grid=(NP // BR,),
        in_specs=[
            pl.BlockSpec((NC, BR, HID_DIM), lambda i: (0, i, 0)),
            pl.BlockSpec((BR, HID_DIM), lambda i: (i, 0)),
            pl.BlockSpec((HID_DIM, OUT_DIM), lambda i: (0, 0)),
            pl.BlockSpec((NC, BR), lambda i: (0, i)),
            pl.BlockSpec((1, HID_DIM), lambda i: (0, 0)),
        ],
        out_specs=pl.BlockSpec((BR, OUT_DIM), lambda i: (i, 0)),
        out_shape=jax.ShapeDtypeStruct((NP, OUT_DIM), jnp.float32),
    )(agg1, hs1, w2, deg_parts, b1)


def _tc_k3(agg2, hs2, deg_parts, b2):
    return pl.pallas_call(
        _k3_body,
        grid=(NP // BR,),
        in_specs=[
            pl.BlockSpec((NC, BR, OUT_DIM), lambda i: (0, i, 0)),
            pl.BlockSpec((BR, OUT_DIM), lambda i: (i, 0)),
            pl.BlockSpec((NC, BR), lambda i: (0, i)),
            pl.BlockSpec((1, OUT_DIM), lambda i: (0, 0)),
        ],
        out_specs=pl.BlockSpec((BR, OUT_DIM), lambda i: (i, 0)),
        out_shape=jax.ShapeDtypeStruct((NP, OUT_DIM), jnp.float32),
    )(agg2, hs2, deg_parts, b2)



def kernel(x, edge_index, W1, b1, W2, b2):
    src = edge_index[0].astype(jnp.int32)
    dst = edge_index[1].astype(jnp.int32)

    npad = EP - N_EDGES
    pad_idx = N_NODES + (jnp.arange(npad, dtype=jnp.int32) % (NP - N_NODES))
    src_p = jnp.concatenate([src, pad_idx]).reshape(NW, NCH, CHUNK)
    dst_p = jnp.concatenate([dst, pad_idx]).reshape(NW, NCH, CHUNK)

    x_p = jnp.pad(x, ((0, NP - N_NODES), (0, 0)))
    b1r = b1.reshape(1, HID_DIM)
    b2r = b2.reshape(1, OUT_DIM)

    deg_parts = _degree_kernel(dst_p)
    hs1 = _tc_k1(x_p, W1, deg_parts)
    agg1 = _scatter128(hs1, src_p, dst_p)
    hs2 = _tc_k2(agg1, hs1, W2, deg_parts, b1r)
    agg2 = _scatter64(hs2, src_p, dst_p)
    out = _tc_k3(agg2, hs2, deg_parts, b2r)
    return out[:N_NODES]

# --- scband reference (transcript-rebuilt; emitter-appended) ---
"""Pipeline reference for scband-my-gnn-36180804502074 (READ-ONLY COPY).

The authoritative reference and input builder live on the scoring server;
editing this copy changes nothing except your own understanding.
"""

import jax, jax.numpy as jnp
import numpy as np

N_NODES = 10000
N_EDGES = 320000
IN_DIM = 128
HID_DIM = 128
OUT_DIM = 64


def setup_inputs(seed: int = 0) -> dict:
    key = jax.random.key(seed)
    k1, k2, k3, k4, k5, k6 = jax.random.split(key, 6)
    x = jax.random.normal(k1, (N_NODES, IN_DIM), dtype=jnp.float32)
    edge_index = jax.random.randint(k2, (2, N_EDGES), 0, N_NODES, dtype=jnp.int64)
    # GCNConv params (glorot-like init for weights, zeros for bias)
    W1 = jax.random.normal(k3, (IN_DIM, HID_DIM), dtype=jnp.float32) * (1.0 / np.sqrt(IN_DIM))
    b1 = jnp.zeros((HID_DIM,), dtype=jnp.float32)
    W2 = jax.random.normal(k4, (HID_DIM, OUT_DIM), dtype=jnp.float32) * (1.0 / np.sqrt(HID_DIM))
    b2 = jnp.zeros((OUT_DIM,), dtype=jnp.float32)
    return {"x": x, "edge_index": edge_index, "W1": W1, "b1": b1, "W2": W2, "b2": b2}


def gcn_conv(x, W, b, src, dst, n_nodes):
    # x' = D^{-1/2} (A + I) D^{-1/2} (x W) + b   (PyG GCNConv default)
    h = x @ W
    loop = jnp.arange(n_nodes, dtype=src.dtype)
    src2 = jnp.concatenate([src, loop])
    dst2 = jnp.concatenate([dst, loop])
    deg = jnp.zeros((n_nodes,), dtype=h.dtype).at[dst2].add(1.0)
    dinv = jnp.where(deg > 0, jax.lax.rsqrt(deg), 0.0)
    norm = dinv[src2] * dinv[dst2]
    msg = h[src2] * norm[:, None]
    out = jnp.zeros((n_nodes, h.shape[1]), dtype=h.dtype).at[dst2].add(msg)
    return out + b


def reference(x, edge_index, W1, b1, W2, b2):
    src = edge_index[0]
    dst = edge_index[1]
    n = x.shape[0]
    h = gcn_conv(x, W1, b1, src, dst, n)
    h = jax.nn.relu(h)
    out = gcn_conv(h, W2, b2, src, dst, n)
    return out

if __name__ == "__main__":
    import jax
    _d = setup_inputs()
    print(jax.jit(kernel)(*tuple(_d.values())))

</pallas_src>

<mosaic_0001>
#map = affine_map<(d0, d1) -> (0, 0, 0)>
#map1 = affine_map<(d0, d1) -> (0, 0)>
module attributes {stable_mosaic.version = 14 : i64} {
  func.func @_degree_kernel(%arg0: i32, %arg1: i32, %arg2: memref<32x79x128xi32, #tpu.memory_space<hbm>>, %arg3: memref<2x10240xf32, #tpu.memory_space<hbm>>, %arg4: memref<79x128xi32, #tpu.memory_space<vmem>>, %arg5: memref<128xf32, #tpu.memory_space<vmem>>, %arg6: memref<640xf32, #tpu.memory_space<vmem>>, %arg7: memref<10240xf32, #tpu.memory_space<vmem_shared>>) attributes {dimension_semantics = [#tpu.dimension_semantics<core_parallel>, #tpu.dimension_semantics<subcore_parallel>], iteration_bounds = array<i64: 2, 16>, scalar_prefetch = 0 : i64, scratch_operands = 4 : i64, tpu.core_type = #tpu.core_type<sc_vector_subcore>, window_params = [{transform_indices = #map}, {transform_indices = #map1}]} {
    %mul3A = arith.constant 16 : i32
    %mul3A_0 = arith.muli %arg0, %mul3A : i32
    %add3A = arith.addi %mul3A_0, %arg1 : i32
    %scan3A = arith.constant 0 : i32
    %scan3A_1 = arith.constant 0 : i32
    %scan3A_2 = arith.constant 40 : i32
    %scan3A_3 = arith.addi %scan3A_1, %scan3A_2 : i32
    %scan3A_4 = arith.constant 1 : i32
    scf.for %scan3A_25 = %scan3A_1 to %scan3A_3 step %scan3A_4  : i32 {
      %broadcast_in_dim3A = arith.constant 0.000000e+00 : f32
      %broadcast_in_dim3A_26 = vector.broadcast %broadcast_in_dim3A : f32 to vector<16xf32>
      %mul3A_27 = arith.constant 16 : i32
      %mul3A_28 = arith.muli %scan3A_25, %mul3A_27 : i32
      %swap3A = arith.index_cast %mul3A_28 : i32 to index
      %swap3A_29 = tpu.vector_load %arg6[%swap3A] {strides = array<i32>} : memref<640xf32, #tpu.memory_space<vmem>>, vector<16xf32>,
      %swap3A_30 = vector.shape_cast %swap3A_29 : vector<16xf32> to vector<16xf32>
      %swap3A_31 = vector.shape_cast %broadcast_in_dim3A_26 : vector<16xf32> to vector<16xf32>
      tpu.vector_store %arg6[%swap3A], %swap3A_31 {strides = array<i32>} : memref<640xf32, #tpu.memory_space<vmem>>, vector<16xf32>,
    }
    %scan3A_5 = arith.constant 40 : i32
    %scan3A_6 = arith.constant 0 : i32
    %scan3A_7 = arith.constant 0 : i32
    %scan3A_8 = arith.constant 8 : i32
    %scan3A_9 = arith.addi %scan3A_7, %scan3A_8 : i32
    %scan3A_10 = arith.constant 1 : i32
    scf.for %scan3A_25 = %scan3A_7 to %scan3A_9 step %scan3A_10  : i32 {
      %broadcast_in_dim3A = arith.constant 1.000000e+00 : f32
      %broadcast_in_dim3A_26 = vector.broadcast %broadcast_in_dim3A : f32 to vector<16xf32>
      %mul3A_27 = arith.constant 16 : i32
      %mul3A_28 = arith.muli %scan3A_25, %mul3A_27 : i32
      %swap3A = arith.index_cast %mul3A_28 : i32 to index
      %swap3A_29 = tpu.vector_load %arg5[%swap3A] {strides = array<i32>} : memref<128xf32, #tpu.memory_space<vmem>>, vector<16xf32>,
      %swap3A_30 = vector.shape_cast %swap3A_29 : vector<16xf32> to vector<16xf32>
      %swap3A_31 = vector.shape_cast %broadcast_in_dim3A_26 : vector<16xf32> to vector<16xf32>
      tpu.vector_store %arg5[%swap3A], %swap3A_31 {strides = array<i32>} : memref<128xf32, #tpu.memory_space<vmem>>, vector<16xf32>,
    }
    %scan3A_11 = arith.constant 8 : i32
    %mul3A_12 = arith.constant 640 : i32
    %mul3A_13 = arith.muli %arg1, %mul3A_12 : i32
    "tpu.region"() ({
      %run_scoped3A = tpu.sem_alloc : memref<!tpu.dma_semaphore, #tpu.memory_space<semaphore_mem>>
      %dma_start3A = tpu.memref_slice %arg7[%mul3A_13] : memref<10240xf32, #tpu.memory_space<vmem_shared>> -> memref<640xf32, #tpu.memory_space<vmem_shared>>
      %dma_start3A_25 = tpu.memref_slice %arg7[%mul3A_13] : memref<10240xf32, #tpu.memory_space<vmem_shared>> -> memref<640xf32, #tpu.memory_space<vmem_shared>>
      tpu.enqueue_dma source(%arg6 : memref<640xf32, #tpu.memory_space<vmem>>) target(%dma_start3A_25 : memref<640xf32, #tpu.memory_space<vmem_shared>>) target_semaphore(%run_scoped3A : memref<!tpu.dma_semaphore, #tpu.memory_space<semaphore_mem>>)
      %dma_wait3A = tpu.memref_slice %arg7[%mul3A_13] : memref<10240xf32, #tpu.memory_space<vmem_shared>> -> memref<640xf32, #tpu.memory_space<vmem_shared>>
      %dma_wait3A_26 = tpu.memref_slice %arg7[%mul3A_13] : memref<10240xf32, #tpu.memory_space<vmem_shared>> -> memref<640xf32, #tpu.memory_space<vmem_shared>>
      tpu.wait_dma2 semaphore(%run_scoped3A : memref<!tpu.dma_semaphore, #tpu.memory_space<semaphore_mem>>) src(%arg6 : memref<640xf32, #tpu.memory_space<vmem>>) dst(%dma_wait3A_26 : memref<640xf32, #tpu.memory_space<vmem_shared>>)
      tpu.yield
    }) : () -> ()
    %barrier3A = arith.constant 0 : index
    tpu.barrier barrier_id(%barrier3A)
    "tpu.region"() ({
      %run_scoped3A = tpu.sem_alloc : memref<!tpu.dma_semaphore, #tpu.memory_space<semaphore_mem>>
      %dma_start3A = arith.constant 0 : i32
      %dma_start3A_25 = arith.constant 0 : i32
      %dma_start3A_26 = tpu.memref_slice %arg2[%add3A, %dma_start3A, %dma_start3A_25] : memref<32x79x128xi32, #tpu.memory_space<hbm>> -> memref<1x79x128xi32, #tpu.memory_space<hbm>>
      %dma_start3A_27 = tpu.memref_squeeze %dma_start3A_26 : memref<1x79x128xi32, #tpu.memory_space<hbm>> -> memref<79x128xi32, #tpu.memory_space<hbm>>
      %dma_start3A_28 = arith.constant 0 : i32
      %dma_start3A_29 = arith.constant 0 : i32
      %dma_start3A_30 = tpu.memref_slice %arg2[%add3A, %dma_start3A_28, %dma_start3A_29] : memref<32x79x128xi32, #tpu.memory_space<hbm>> -> memref<1x79x128xi32, #tpu.memory_space<hbm>>
      %dma_start3A_31 = tpu.memref_squeeze %dma_start3A_30 : memref<1x79x128xi32, #tpu.memory_space<hbm>> -> memref<79x128xi32, #tpu.memory_space<hbm>>
      tpu.enqueue_dma source(%dma_start3A_31 : memref<79x128xi32, #tpu.memory_space<hbm>>) target(%arg4 : memref<79x128xi32, #tpu.memory_space<vmem>>) target_semaphore(%run_scoped3A : memref<!tpu.dma_semaphore, #tpu.memory_space<semaphore_mem>>)
      %dma_wait3A = arith.constant 0 : i32
      %dma_wait3A_32 = arith.constant 0 : i32
      %dma_wait3A_33 = tpu.memref_slice %arg2[%add3A, %dma_wait3A, %dma_wait3A_32] : memref<32x79x128xi32, #tpu.memory_space<hbm>> -> memref<1x79x128xi32, #tpu.memory_space<hbm>>
      %dma_wait3A_34 = tpu.memref_squeeze %dma_wait3A_33 : memref<1x79x128xi32, #tpu.memory_space<hbm>> -> memref<79x128xi32, #tpu.memory_space<hbm>>
      %dma_wait3A_35 = arith.constant 0 : i32
      %dma_wait3A_36 = arith.constant 0 : i32
      %dma_wait3A_37 = tpu.memref_slice %arg2[%add3A, %dma_wait3A_35, %dma_wait3A_36] : memref<32x79x128xi32, #tpu.memory_space<hbm>> -> memref<1x79x128xi32, #tpu.memory_space<hbm>>
      %dma_wait3A_38 = tpu.memref_squeeze %dma_wait3A_37 : memref<1x79x128xi32, #tpu.memory_space<hbm>> -> memref<79x128xi32, #tpu.memory_space<hbm>>
      tpu.wait_dma2 semaphore(%run_scoped3A : memref<!tpu.dma_semaphore, #tpu.memory_space<semaphore_mem>>) src(%dma_wait3A_38 : memref<79x128xi32, #tpu.memory_space<hbm>>) dst(%arg4 : memref<79x128xi32, #tpu.memory_space<vmem>>)
      tpu.yield
    }) : () -> ()
    %scan3A_14 = arith.constant 0 : i32
    %scan3A_15 = arith.constant 0 : i32
    %scan3A_16 = arith.constant 79 : i32
    %scan3A_17 = arith.addi %scan3A_15, %scan3A_16 : i32
    %scan3A_18 = arith.constant 1 : i32
    scf.for %scan3A_25 = %scan3A_15 to %scan3A_17 step %scan3A_18  : i32 {
      "tpu.region"() ({
        %run_scoped3A = tpu.sem_alloc : memref<!tpu.dma_semaphore, #tpu.memory_space<semaphore_mem>>
        %dma_start3A = arith.constant 0 : i32
        %dma_start3A_26 = tpu.memref_slice %arg4[%scan3A_25, %dma_start3A] : memref<79x128xi32, #tpu.memory_space<vmem>> -> memref<1x128xi32, #tpu.memory_space<vmem>>
        %dma_start3A_27 = tpu.memref_squeeze %dma_start3A_26 : memref<1x128xi32, #tpu.memory_space<vmem>> -> memref<128xi32, #tpu.memory_space<vmem>>
        %dma_start3A_28 = arith.constant 0 : i32
        %dma_start3A_29 = tpu.memref_slice %arg7[%dma_start3A_28] : memref<10240xf32, #tpu.memory_space<vmem_shared>> -> memref<10240xf32, #tpu.memory_space<vmem_shared>>
        tpu.enqueue_indirect_dma source(%arg5 : memref<128xf32, #tpu.memory_space<vmem>>) target(%dma_start3A_29 : memref<10240xf32, #tpu.memory_space<vmem_shared>>) offsets(%dma_start3A_27 : memref<128xi32, #tpu.memory_space<vmem>>) semaphore(%run_scoped3A : memref<!tpu.dma_semaphore, #tpu.memory_space<semaphore_mem>>) {add = true}
        %dma_wait3A = arith.constant 0 : i32
        %dma_wait3A_30 = tpu.memref_slice %arg4[%scan3A_25, %dma_wait3A] : memref<79x128xi32, #tpu.memory_space<vmem>> -> memref<1x128xi32, #tpu.memory_space<vmem>>
        %dma_wait3A_31 = tpu.memref_squeeze %dma_wait3A_30 : memref<1x128xi32, #tpu.memory_space<vmem>> -> memref<128xi32, #tpu.memory_space<vmem>>
        %dma_wait3A_32 = arith.constant 0 : i32
        %dma_wait3A_33 = tpu.memref_slice %arg7[%dma_wait3A_32] : memref<10240xf32, #tpu.memory_space<vmem_shared>> -> memref<10240xf32, #tpu.memory_space<vmem_shared>>
        tpu.wait_indirect_dma semaphore(%run_scoped3A : memref<!tpu.dma_semaphore, #tpu.memory_space<semaphore_mem>>) src(%arg5 : memref<128xf32, #tpu.memory_space<vmem>>) dst(%dma_wait3A_33 : memref<10240xf32, #tpu.memory_space<vmem_shared>>)
        tpu.yield
      }) : () -> ()
    }
    %scan3A_19 = arith.constant 79 : i32
    %barrier3A_20 = arith.constant 0 : index
    tpu.barrier barrier_id(%barrier3A_20)
    %mul3A_21 = arith.constant 640 : i32
    %mul3A_22 = arith.muli %arg1, %mul3A_21 : i32
    %mul3A_23 = arith.constant 640 : i32
    %mul3A_24 = arith.muli %arg1, %mul3A_23 : i32
    "tpu.region"() ({
      %run_scoped3A = tpu.sem_alloc : memref<!tpu.dma_semaphore, #tpu.memory_space<semaphore_mem>>
      %dma_start3A = tpu.memref_slice %arg3[%arg0, %mul3A_24] : memref<2x10240xf32, #tpu.memory_space<hbm>> -> memref<1x640xf32, #tpu.memory_space<hbm>>
      %dma_start3A_25 = tpu.memref_squeeze %dma_start3A : memref<1x640xf32, #tpu.memory_space<hbm>> -> memref<640xf32, #tpu.memory_space<hbm>>
      %dma_start3A_26 = tpu.memref_slice %arg7[%mul3A_22] : memref<10240xf32, #tpu.memory_space<vmem_shared>> -> memref<640xf32, #tpu.memory_space<vmem_shared>>
      tpu.enqueue_dma source(%dma_start3A_26 : memref<640xf32, #tpu.memory_space<vmem_shared>>) target(%dma_start3A_25 : memref<640xf32, #tpu.memory_space<hbm>>) target_semaphore(%run_scoped3A : memref<!tpu.dma_semaphore, #tpu.memory_space<semaphore_mem>>)
      %dma_wait3A = tpu.memref_slice %arg3[%arg0, %mul3A_24] : memref<2x10240xf32, #tpu.memory_space<hbm>> -> memref<1x640xf32, #tpu.memory_space<hbm>>
      %dma_wait3A_27 = tpu.memref_squeeze %dma_wait3A : memref<1x640xf32, #tpu.memory_space<hbm>> -> memref<640xf32, #tpu.memory_space<hbm>>
      %dma_wait3A_28 = tpu.memref_slice %arg7[%mul3A_22] : memref<10240xf32, #tpu.memory_space<vmem_shared>> -> memref<640xf32, #tpu.memory_space<vmem_shared>>
      tpu.wait_dma2 semaphore(%run_scoped3A : memref<!tpu.dma_semaphore, #tpu.memory_space<semaphore_mem>>) src(%dma_wait3A_28 : memref<640xf32, #tpu.memory_space<vmem_shared>>) dst(%dma_wait3A_27 : memref<640xf32, #tpu.memory_space<hbm>>)
      tpu.yield
    }) : () -> ()
    return
  }
}

#map = affine_map<(d0, d1) -> (0, 0)>
#map1 = affine_map<(d0, d1) -> (0, 0, 0)>
module attributes {stable_mosaic.version = 14 : i64} {
  func.func @scatter_kernel(%arg0: i32, %arg1: i32, %arg2: memref<10240x128xf32, #tpu.memory_space<hbm>>, %arg3: memref<32x79x128xi32, #tpu.memory_space<hbm>>, %arg4: memref<32x79x128xi32, #tpu.memory_space<hbm>>, %arg5: memref<2x10240x128xf32, #tpu.memory_space<hbm>>, %arg6: memref<79x128xi32, #tpu.memory_space<vmem>>, %arg7: memref<2x128xi32, #tpu.memory_space<vmem>>, %arg8: memref<2x128x128xf32, #tpu.memory_space<vmem>>, %arg9: memref<10240x128xf32, #tpu.memory_space<vmem_shared>>, %arg10: memref<!tpu.dma_semaphore, #tpu.memory_space<semaphore_mem>>, %arg11: memref<!tpu.dma_semaphore, #tpu.memory_space<semaphore_mem>>, %arg12: memref<!tpu.dma_semaphore, #tpu.memory_space<semaphore_mem>>) attributes {dimension_semantics = [#tpu.dimension_semantics<core_parallel>, #tpu.dimension_semantics<subcore_parallel>], iteration_bounds = array<i64: 2, 16>, scalar_prefetch = 0 : i64, scratch_operands = 7 : i64, tpu.core_type = #tpu.core_type<sc_vector_subcore>, window_params = [{transform_indices = #map}, {transform_indices = #map1}, {transform_indices = #map1}, {transform_indices = #map1}]} {
    %mul3A = arith.constant 16 : i32
    %mul3A_0 = arith.muli %arg0, %mul3A : i32
    %add3A = arith.addi %mul3A_0, %arg1 : i32
    %scan3A = arith.constant 0 : i32
    %scan3A_1 = arith.constant 0 : i32
    %scan3A_2 = arith.constant 0 : i32
    %scan3A_3 = arith.constant 1024 : i32
    %scan3A_4 = arith.addi %scan3A_2, %scan3A_3 : i32
    %scan3A_5 = arith.constant 1 : i32
    scf.for %scan3A_78 = %scan3A_2 to %scan3A_4 step %scan3A_5  : i32 {
      %jit3A = arith.constant 8 : i32
      %div3A = arith.divsi %scan3A_78, %jit3A : i32
      %sign3A = arith.constant 0 : i32
      %sign3A_79 = arith.cmpi sgt, %scan3A_78, %sign3A : i32
      %sign3A_80 = arith.extui %sign3A_79 : i1 to i32
      %sign3A_81 = arith.constant 0 : i32
      %sign3A_82 = arith.cmpi slt, %scan3A_78, %sign3A_81 : i32
      %sign3A_83 = arith.extui %sign3A_82 : i1 to i32
      %sign3A_84 = arith.subi %sign3A_80, %sign3A_83 : i32
      %sign3A_85 = arith.constant 0 : i32
      %sign3A_86 = arith.cmpi sgt, %jit3A, %sign3A_85 : i32
      %sign3A_87 = arith.extui %sign3A_86 : i1 to i32
      %sign3A_88 = arith.constant 0 : i32
      %sign3A_89 = arith.cmpi slt, %jit3A, %sign3A_88 : i32
      %sign3A_90 = arith.extui %sign3A_89 : i1 to i32
      %sign3A_91 = arith.subi %sign3A_87, %sign3A_90 : i32
      %ne3A = arith.cmpi ne, %sign3A_84, %sign3A_91 : i32
      %rem3A = arith.remsi %scan3A_78, %jit3A : i32
      %ne3A_92 = arith.constant 0 : i32
      %ne3A_93 = arith.cmpi ne, %rem3A, %ne3A_92 : i32
      %and3A = arith.andi %ne3A, %ne3A_93 : i1
      %sub3A = arith.constant 1 : i32
      %sub3A_94 = arith.subi %div3A, %sub3A : i32
      %select_n3A = arith.select %and3A, %sub3A_94, %div3A : i32
      %jit3A_95 = arith.constant 8 : i32
      %eq3A = arith.constant 0 : i32
      %eq3A_96 = arith.cmpi eq, %jit3A_95, %eq3A : i32
      %jit3A_97 = arith.constant 1 : i32
      %select_n3A_98 = arith.select %eq3A_96, %jit3A_97, %jit3A_95 : i32
      %rem3A_99 = arith.remsi %scan3A_78, %select_n3A_98 : i32
      %ne3A_100 = arith.constant 0 : i32
      %ne3A_101 = arith.cmpi ne, %rem3A_99, %ne3A_100 : i32
      %lt3A = arith.constant 0 : i32
      %lt3A_102 = arith.cmpi slt, %rem3A_99, %lt3A : i32
      %lt3A_103 = arith.constant 0 : i32
      %lt3A_104 = arith.cmpi slt, %select_n3A_98, %lt3A_103 : i32
      %ne3A_105 = arith.xori %lt3A_102, %lt3A_104 : i1
      %and3A_106 = arith.andi %ne3A_105, %ne3A_101 : i1
      %add3A_107 = arith.addi %rem3A_99, %select_n3A_98 : i32
      %select_n3A_108 = arith.select %and3A_106, %add3A_107, %rem3A_99 : i32
      %mul3A_109 = arith.constant 16 : i32
      %mul3A_110 = arith.muli %select_n3A_108, %mul3A_109 : i32
      %broadcast_in_dim3A = arith.constant 0.000000e+00 : f32
      %broadcast_in_dim3A_111 = vector.broadcast %broadcast_in_dim3A : f32 to vector<16xf32>
      %swap3A = arith.constant 0 : i32
      %swap3A_112 = arith.constant 0 : i32
      %swap3A_113 = tpu.memref_slice %arg8[%scan3A_1, %swap3A, %swap3A_112] : memref<2x128x128xf32, #tpu.memory_space<vmem>> -> memref<1x128x128xf32, #tpu.memory_space<vmem>>
      %swap3A_114 = tpu.memref_squeeze %swap3A_113 : memref<1x128x128xf32, #tpu.memory_space<vmem>> -> memref<128x128xf32, #tpu.memory_space<vmem>>
      %swap3A_115 = arith.index_cast %select_n3A : i32 to index
      %swap3A_116 = arith.index_cast %mul3A_110 : i32 to index
      %swap3A_117 = tpu.vector_load %swap3A_114[%swap3A_115, %swap3A_116] {strides = array<i32>} : memref<128x128xf32, #tpu.memory_space<vmem>>, vector<1x16xf32>,
      %swap3A_118 = vector.shape_cast %swap3A_117 : vector<1x16xf32> to vector<16xf32>
      %swap3A_119 = vector.shape_cast %broadcast_in_dim3A_111 : vector<16xf32> to vector<1x16xf32>
      tpu.vector_store %swap3A_114[%swap3A_115, %swap3A_116], %swap3A_119 {strides = array<i32>} : memref<128x128xf32, #tpu.memory_space<vmem>>, vector<1x16xf32>,
    }
    %scan3A_6 = arith.constant 1024 : i32
    %mul3A_7 = arith.constant 640 : i32
    %mul3A_8 = arith.muli %arg1, %mul3A_7 : i32
    %add3A_9 = arith.constant 0 : i32
    %add3A_10 = arith.addi %mul3A_8, %add3A_9 : i32
    %run_scoped3A = arith.constant 0 : i32
    "tpu.region"() ({
      %run_scoped3A_78 = tpu.sem_alloc : memref<!tpu.dma_semaphore, #tpu.memory_space<semaphore_mem>>
      %dma_start3A_79 = arith.constant 0 : i32
      %dma_start3A_80 = arith.constant 0 : i32
      %dma_start3A_81 = tpu.memref_slice %arg8[%run_scoped3A, %dma_start3A_79, %dma_start3A_80] : memref<2x128x128xf32, #tpu.memory_space<vmem>> -> memref<1x128x128xf32, #tpu.memory_space<vmem>>
      %dma_start3A_82 = tpu.memref_squeeze %dma_start3A_81 : memref<1x128x128xf32, #tpu.memory_space<vmem>> -> memref<128x128xf32, #tpu.memory_space<vmem>>
      %dma_start3A_83 = arith.constant 0 : i32
      %dma_start3A_84 = tpu.memref_slice %arg9[%add3A_10, %dma_start3A_83] : memref<10240x128xf32, #tpu.memory_space<vmem_shared>> -> memref<128x128xf32, #tpu.memory_space<vmem_shared>>
      %dma_start3A_85 = arith.constant 0 : i32
      %dma_start3A_86 = tpu.memref_slice %arg9[%add3A_10, %dma_start3A_85] : memref<10240x128xf32, #tpu.memory_space<vmem_shared>> -> memref<128x128xf32, #tpu.memory_space<vmem_shared>>
      %dma_start3A_87 = arith.constant 0 : i32
      %dma_start3A_88 = arith.constant 0 : i32
      %dma_start3A_89 = tpu.memref_slice %arg8[%run_scoped3A, %dma_start3A_87, %dma_start3A_88] : memref<2x128x128xf32, #tpu.memory_space<vmem>> -> memref<1x128x128xf32, #tpu.memory_space<vmem>>
      %dma_start3A_90 = tpu.memref_squeeze %dma_start3A_89 : memref<1x128x128xf32, #tpu.memory_space<vmem>> -> memref<128x128xf32, #tpu.memory_space<vmem>>
      tpu.enqueue_dma source(%dma_start3A_90 : memref<128x128xf32, #tpu.memory_space<vmem>>) target(%dma_start3A_86 : memref<128x128xf32, #tpu.memory_space<vmem_shared>>) target_semaphore(%run_scoped3A_78 : memref<!tpu.dma_semaphore, #tpu.memory_space<semaphore_mem>>)
      %dma_wait3A_91 = arith.constant 0 : i32
      %dma_wait3A_92 = arith.constant 0 : i32
      %dma_wait3A_93 = tpu.memref_slice %arg8[%run_scoped3A, %dma_wait3A_91, %dma_wait3A_92] : memref<2x128x128xf32, #tpu.memory_space<vmem>> -> memref<1x128x128xf32, #tpu.memory_space<vmem>>
      %dma_wait3A_94 = tpu.memref_squeeze %dma_wait3A_93 : memref<1x128x128xf32, #tpu.memory_space<vmem>> -> memref<128x128xf32, #tpu.memory_space<vmem>>
      %dma_wait3A_95 = arith.constant 0 : i32
      %dma_wait3A_96 = tpu.memref_slice %arg9[%add3A_10, %dma_wait3A_95] : memref<10240x128xf32, #tpu.memory_space<vmem_shared>> -> memref<128x128xf32, #tpu.memory_space<vmem_shared>>
      %dma_wait3A_97 = arith.constant 0 : i32
      %dma_wait3A_98 = tpu.memref_slice %arg9[%add3A_10, %dma_wait3A_97] : memref<10240x128xf32, #tpu.memory_space<vmem_shared>> -> memref<128x128xf32, #tpu.memory_space<vmem_shared>>
      %dma_wait3A_99 = arith.constant 0 : i32
      %dma_wait3A_100 = arith.constant 0 : i32
      %dma_wait3A_101 = tpu.memref_slice %arg8[%run_scoped3A, %dma_wait3A_99, %dma_wait3A_100] : memref<2x128x128xf32, #tpu.memory_space<vmem>> -> memref<1x128x128xf32, #tpu.memory_space<vmem>>
      %dma_wait3A_102 = tpu.memref_squeeze %dma_wait3A_101 : memref<1x128x128xf32, #tpu.memory_space<vmem>> -> memref<128x128xf32, #tpu.memory_space<vmem>>
      tpu.wait_dma2 semaphore(%run_scoped3A_78 : memref<!tpu.dma_semaphore, #tpu.memory_space<semaphore_mem>>) src(%dma_wait3A_102 : memref<128x128xf32, #tpu.memory_space<vmem>>) dst(%dma_wait3A_98 : memref<128x128xf32, #tpu.memory_space<vmem_shared>>)
      tpu.yield
    }) : () -> ()
    %mul3A_11 = arith.constant 640 : i32
    %mul3A_12 = arith.muli %arg1, %mul3A_11 : i32
    %add3A_13 = arith.constant 128 : i32
    %add3A_14 = arith.addi %mul3A_12, %add3A_13 : i32
    %run_scoped3A_15 = arith.constant 0 : i32
    "tpu.region"() ({
      %run_scoped3A_78 = tpu.sem_alloc : memref<!tpu.dma_semaphore, #tpu.memory_space<semaphore_mem>>
      %dma_start3A_79 = arith.constant 0 : i32
      %dma_start3A_80 = arith.constant 0 : i32
      %dma_start3A_81 = tpu.memref_slice %arg8[%run_scoped3A_15, %dma_start3A_79, %dma_start3A_80] : memref<2x128x128xf32, #tpu.memory_space<vmem>> -> memref<1x128x128xf32, #tpu.memory_space<vmem>>
      %dma_start3A_82 = tpu.memref_squeeze %dma_start3A_81 : memref<1x128x128xf32, #tpu.memory_space<vmem>> -> memref<128x128xf32, #tpu.memory_space<vmem>>
      %dma_start3A_83 = arith.constant 0 : i32
      %dma_start3A_84 = tpu.memref_slice %arg9[%add3A_14, %dma_start3A_83] : memref<10240x128xf32, #tpu.memory_space<vmem_shared>> -> memref<128x128xf32, #tpu.memory_space<vmem_shared>>
      %dma_start3A_85 = arith.constant 0 : i32
      %dma_start3A_86 = tpu.memref_slice %arg9[%add3A_14, %dma_start3A_85] : memref<10240x128xf32, #tpu.memory_space<vmem_shared>> -> memref<128x128xf32, #tpu.memory_space<vmem_shared>>
      %dma_start3A_87 = arith.constant 0 : i32
      %dma_start3A_88 = arith.constant 0 : i32
      %dma_start3A_89 = tpu.memref_slice %arg8[%run_scoped3A_15, %dma_start3A_87, %dma_start3A_88] : memref<2x128x128xf32, #tpu.memory_space<vmem>> -> memref<1x128x128xf32, #tpu.memory_space<vmem>>
      %dma_start3A_90 = tpu.memref_squeeze %dma_start3A_89 : memref<1x128x128xf32, #tpu.memory_space<vmem>> -> memref<128x128xf32, #tpu.memory_space<vmem>>
      tpu.enqueue_dma source(%dma_start3A_90 : memref<128x128xf32, #tpu.memory_space<vmem>>) target(%dma_start3A_86 : memref<128x128xf32, #tpu.memory_space<vmem_shared>>) target_semaphore(%run_scoped3A_78 : memref<!tpu.dma_semaphore, #tpu.memory_space<semaphore_mem>>)
      %dma_wait3A_91 = arith.constant 0 : i32
      %dma_wait3A_92 = arith.constant 0 : i32
      %dma_wait3A_93 = tpu.memref_slice %arg8[%run_scoped3A_15, %dma_wait3A_91, %dma_wait3A_92] : memref<2x128x128xf32, #tpu.memory_space<vmem>> -> memref<1x128x128xf32, #tpu.memory_space<vmem>>
      %dma_wait3A_94 = tpu.memref_squeeze %dma_wait3A_93 : memref<1x128x128xf32, #tpu.memory_space<vmem>> -> memref<128x128xf32, #tpu.memory_space<vmem>>
      %dma_wait3A_95 = arith.constant 0 : i32
      %dma_wait3A_96 = tpu.memref_slice %arg9[%add3A_14, %dma_wait3A_95] : memref<10240x128xf32, #tpu.memory_space<vmem_shared>> -> memref<128x128xf32, #tpu.memory_space<vmem_shared>>
      %dma_wait3A_97 = arith.constant 0 : i32
      %dma_wait3A_98 = tpu.memref_slice %arg9[%add3A_14, %dma_wait3A_97] : memref<10240x128xf32, #tpu.memory_space<vmem_shared>> -> memref<128x128xf32, #tpu.memory_space<vmem_shared>>
      %dma_wait3A_99 = arith.constant 0 : i32
      %dma_wait3A_100 = arith.constant 0 : i32
      %dma_wait3A_101 = tpu.memref_slice %arg8[%run_scoped3A_15, %dma_wait3A_99, %dma_wait3A_100] : memref<2x128x128xf32, #tpu.memory_space<vmem>> -> memref<1x128x128xf32, #tpu.memory_space<vmem>>
      %dma_wait3A_102 = tpu.memref_squeeze %dma_wait3A_101 : memref<1x128x128xf32, #tpu.memory_space<vmem>> -> memref<128x128xf32, #tpu.memory_space<vmem>>
      tpu.wait_dma2 semaphore(%run_scoped3A_78 : memref<!tpu.dma_semaphore, #tpu.memory_space<semaphore_mem>>) src(%dma_wait3A_102 : memref<128x128xf32, #tpu.memory_space<vmem>>) dst(%dma_wait3A_98 : memref<128x128xf32, #tpu.memory_space<vmem_shared>>)
      tpu.yield
    }) : () -> ()
    %mul3A_16 = arith.constant 640 : i32
    %mul3A_17 = arith.muli %arg1, %mul3A_16 : i32
    %add3A_18 = arith.constant 256 : i32
    %add3A_19 = arith.addi %mul3A_17, %add3A_18 : i32
    %run_scoped3A_20 = arith.constant 0 : i32
    "tpu.region"() ({
      %run_scoped3A_78 = tpu.sem_alloc : memref<!tpu.dma_semaphore, #tpu.memory_space<semaphore_mem>>
      %dma_start3A_79 = arith.constant 0 : i32
      %dma_start3A_80 = arith.constant 0 : i32
      %dma_start3A_81 = tpu.memref_slice %arg8[%run_scoped3A_20, %dma_start3A_79, %dma_start3A_80] : memref<2x128x128xf32, #tpu.memory_space<vmem>> -> memref<1x128x128xf32, #tpu.memory_space<vmem>>
      %dma_start3A_82 = tpu.memref_squeeze %dma_start3A_81 : memref<1x128x128xf32, #tpu.memory_space<vmem>> -> memref<128x128xf32, #tpu.memory_space<vmem>>
      %dma_start3A_83 = arith.constant 0 : i32
      %dma_start3A_84 = tpu.memref_slice %arg9[%add3A_19, %dma_start3A_83] : memref<10240x128xf32, #tpu.memory_space<vmem_shared>> -> memref<128x128xf32, #tpu.memory_space<vmem_shared>>
      %dma_start3A_85 = arith.constant 0 : i32
      %dma_start3A_86 = tpu.memref_slice %arg9[%add3A_19, %dma_start3A_85] : memref<10240x128xf32, #tpu.memory_space<vmem_shared>> -> memref<128x128xf32, #tpu.memory_space<vmem_shared>>
      %dma_start3A_87 = arith.constant 0 : i32
      %dma_start3A_88 = arith.constant 0 : i32
      %dma_start3A_89 = tpu.memref_slice %arg8[%run_scoped3A_20, %dma_start3A_87, %dma_start3A_88] : memref<2x128x128xf32, #tpu.memory_space<vmem>> -> memref<1x128x128xf32, #tpu.memory_space<vmem>>
      %dma_start3A_90 = tpu.memref_squeeze %dma_start3A_89 : memref<1x128x128xf32, #tpu.memory_space<vmem>> -> memref<128x128xf32, #tpu.memory_space<vmem>>
      tpu.enqueue_dma source(%dma_start3A_90 : memref<128x128xf32, #tpu.memory_space<vmem>>) target(%dma_start3A_86 : memref<128x128xf32, #tpu.memory_space<vmem_shared>>) target_semaphore(%run_scoped3A_78 : memref<!tpu.dma_semaphore, #tpu.memory_space<semaphore_mem>>)
      %dma_wait3A_91 = arith.constant 0 : i32
      %dma_wait3A_92 = arith.constant 0 : i32
      %dma_wait3A_93 = tpu.memref_slice %arg8[%run_scoped3A_20, %dma_wait3A_91, %dma_wait3A_92] : memref<2x128x128xf32, #tpu.memory_space<vmem>> -> memref<1x128x128xf32, #tpu.memory_space<vmem>>
      %dma_wait3A_94 = tpu.memref_squeeze %dma_wait3A_93 : memref<1x128x128xf32, #tpu.memory_space<vmem>> -> memref<128x128xf32, #tpu.memory_space<vmem>>
      %dma_wait3A_95 = arith.constant 0 : i32
      %dma_wait3A_96 = tpu.memref_slice %arg9[%add3A_19, %dma_wait3A_95] : memref<10240x128xf32, #tpu.memory_space<vmem_shared>> -> memref<128x128xf32, #tpu.memory_space<vmem_shared>>
      %dma_wait3A_97 = arith.constant 0 : i32
      %dma_wait3A_98 = tpu.memref_slice %arg9[%add3A_19, %dma_wait3A_97] : memref<10240x128xf32, #tpu.memory_space<vmem_shared>> -> memref<128x128xf32, #tpu.memory_space<vmem_shared>>
      %dma_wait3A_99 = arith.constant 0 : i32
      %dma_wait3A_100 = arith.constant 0 : i32
      %dma_wait3A_101 = tpu.memref_slice %arg8[%run_scoped3A_20, %dma_wait3A_99, %dma_wait3A_100] : memref<2x128x128xf32, #tpu.memory_space<vmem>> -> memref<1x128x128xf32, #tpu.memory_space<vmem>>
      %dma_wait3A_102 = tpu.memref_squeeze %dma_wait3A_101 : memref<1x128x128xf32, #tpu.memory_space<vmem>> -> memref<128x128xf32, #tpu.memory_space<vmem>>
      tpu.wait_dma2 semaphore(%run_scoped3A_78 : memref<!tpu.dma_semaphore, #tpu.memory_space<semaphore_mem>>) src(%dma_wait3A_102 : memref<128x128xf32, #tpu.memory_space<vmem>>) dst(%dma_wait3A_98 : memref<128x128xf32, #tpu.memory_space<vmem_shared>>)
      tpu.yield
    }) : () -> ()
    %mul3A_21 = arith.constant 640 : i32
    %mul3A_22 = arith.muli %arg1, %mul3A_21 : i32
    %add3A_23 = arith.constant 384 : i32
    %add3A_24 = arith.addi %mul3A_22, %add3A_23 : i32
    %run_scoped3A_25 = arith.constant 0 : i32
    "tpu.region"() ({
      %run_scoped3A_78 = tpu.sem_alloc : memref<!tpu.dma_semaphore, #tpu.memory_space<semaphore_mem>>
      %dma_start3A_79 = arith.constant 0 : i32
      %dma_start3A_80 = arith.constant 0 : i32
      %dma_start3A_81 = tpu.memref_slice %arg8[%run_scoped3A_25, %dma_start3A_79, %dma_start3A_80] : memref<2x128x128xf32, #tpu.memory_space<vmem>> -> memref<1x128x128xf32, #tpu.memory_space<vmem>>
      %dma_start3A_82 = tpu.memref_squeeze %dma_start3A_81 : memref<1x128x128xf32, #tpu.memory_space<vmem>> -> memref<128x128xf32, #tpu.memory_space<vmem>>
      %dma_start3A_83 = arith.constant 0 : i32
      %dma_start3A_84 = tpu.memref_slice %arg9[%add3A_24, %dma_start3A_83] : memref<10240x128xf32, #tpu.memory_space<vmem_shared>> -> memref<128x128xf32, #tpu.memory_space<vmem_shared>>
      %dma_start3A_85 = arith.constant 0 : i32
      %dma_start3A_86 = tpu.memref_slice %arg9[%add3A_24, %dma_start3A_85] : memref<10240x128xf32, #tpu.memory_space<vmem_shared>> -> memref<128x128xf32, #tpu.memory_space<vmem_shared>>
      %dma_start3A_87 = arith.constant 0 : i32
      %dma_start3A_88 = arith.constant 0 : i32
      %dma_start3A_89 = tpu.memref_slice %arg8[%run_scoped3A_25, %dma_start3A_87, %dma_start3A_88] : memref<2x128x128xf32, #tpu.memory_space<vmem>> -> memref<1x128x128xf32, #tpu.memory_space<vmem>>
      %dma_start3A_90 = tpu.memref_squeeze %dma_start3A_89 : memref<1x128x128xf32, #tpu.memory_space<vmem>> -> memref<128x128xf32, #tpu.memory_space<vmem>>
      tpu.enqueue_dma source(%dma_start3A_90 : memref<128x128xf32, #tpu.memory_space<vmem>>) target(%dma_start3A_86 : memref<128x128xf32, #tpu.memory_space<vmem_shared>>) target_semaphore(%run_scoped3A_78 : memref<!tpu.dma_semaphore, #tpu.memory_space<semaphore_mem>>)
      %dma_wait3A_91 = arith.constant 0 : i32
      %dma_wait3A_92 = arith.constant 0 : i32
      %dma_wait3A_93 = tpu.memref_slice %arg8[%run_scoped3A_25, %dma_wait3A_91, %dma_wait3A_92] : memref<2x128x128xf32, #tpu.memory_space<vmem>> -> memref<1x128x128xf32, #tpu.memory_space<vmem>>
      %dma_wait3A_94 = tpu.memref_squeeze %dma_wait3A_93 : memref<1x128x128xf32, #tpu.memory_space<vmem>> -> memref<128x128xf32, #tpu.memory_space<vmem>>
      %dma_wait3A_95 = arith.constant 0 : i32
      %dma_wait3A_96 = tpu.memref_slice %arg9[%add3A_24, %dma_wait3A_95] : memref<10240x128xf32, #tpu.memory_space<vmem_shared>> -> memref<128x128xf32, #tpu.memory_space<vmem_shared>>
      %dma_wait3A_97 = arith.constant 0 : i32
      %dma_wait3A_98 = tpu.memref_slice %arg9[%add3A_24, %dma_wait3A_97] : memref<10240x128xf32, #tpu.memory_space<vmem_shared>> -> memref<128x128xf32, #tpu.memory_space<vmem_shared>>
      %dma_wait3A_99 = arith.constant 0 : i32
      %dma_wait3A_100 = arith.constant 0 : i32
      %dma_wait3A_101 = tpu.memref_slice %arg8[%run_scoped3A_25, %dma_wait3A_99, %dma_wait3A_100] : memref<2x128x128xf32, #tpu.memory_space<vmem>> -> memref<1x128x128xf32, #tpu.memory_space<vmem>>
      %dma_wait3A_102 = tpu.memref_squeeze %dma_wait3A_101 : memref<1x128x128xf32, #tpu.memory_space<vmem>> -> memref<128x128xf32, #tpu.memory_space<vmem>>
      tpu.wait_dma2 semaphore(%run_scoped3A_78 : memref<!tpu.dma_semaphore, #tpu.memory_space<semaphore_mem>>) src(%dma_wait3A_102 : memref<128x128xf32, #tpu.memory_space<vmem>>) dst(%dma_wait3A_98 : memref<128x128xf32, #tpu.memory_space<vmem_shared>>)
      tpu.yield
    }) : () -> ()
    %mul3A_26 = arith.constant 640 : i32
    %mul3A_27 = arith.muli %arg1, %mul3A_26 : i32
    %add3A_28 = arith.constant 512 : i32
    %add3A_29 = arith.addi %mul3A_27, %add3A_28 : i32
    %run_scoped3A_30 = arith.constant 0 : i32
    "tpu.region"() ({
      %run_scoped3A_78 = tpu.sem_alloc : memref<!tpu.dma_semaphore, #tpu.memory_space<semaphore_mem>>
      %dma_start3A_79 = arith.constant 0 : i32
      %dma_start3A_80 = arith.constant 0 : i32
      %dma_start3A_81 = tpu.memref_slice %arg8[%run_scoped3A_30, %dma_start3A_79, %dma_start3A_80] : memref<2x128x128xf32, #tpu.memory_space<vmem>> -> memref<1x128x128xf32, #tpu.memory_space<vmem>>
      %dma_start3A_82 = tpu.memref_squeeze %dma_start3A_81 : memref<1x128x128xf32, #tpu.memory_space<vmem>> -> memref<128x128xf32, #tpu.memory_space<vmem>>
      %dma_start3A_83 = arith.constant 0 : i32
      %dma_start3A_84 = tpu.memref_slice %arg9[%add3A_29, %dma_start3A_83] : memref<10240x128xf32, #tpu.memory_space<vmem_shared>> -> memref<128x128xf32, #tpu.memory_space<vmem_shared>>
      %dma_start3A_85 = arith.constant 0 : i32
      %dma_start3A_86 = tpu.memref_slice %arg9[%add3A_29, %dma_start3A_85] : memref<10240x128xf32, #tpu.memory_space<vmem_shared>> -> memref<128x128xf32, #tpu.memory_space<vmem_shared>>
      %dma_start3A_87 = arith.constant 0 : i32
      %dma_start3A_88 = arith.constant 0 : i32
      %dma_start3A_89 = tpu.memref_slice %arg8[%run_scoped3A_30, %dma_start3A_87, %dma_start3A_88] : memref<2x128x128xf32, #tpu.memory_space<vmem>> -> memref<1x128x128xf32, #tpu.memory_space<vmem>>
      %dma_start3A_90 = tpu.memref_squeeze %dma_start3A_89 : memref<1x128x128xf32, #tpu.memory_space<vmem>> -> memref<128x128xf32, #tpu.memory_space<vmem>>
      tpu.enqueue_dma source(%dma_start3A_90 : memref<128x128xf32, #tpu.memory_space<vmem>>) target(%dma_start3A_86 : memref<128x128xf32, #tpu.memory_space<vmem_shared>>) target_semaphore(%run_scoped3A_78 : memref<!tpu.dma_semaphore, #tpu.memory_space<semaphore_mem>>)
      %dma_wait3A_91 = arith.constant 0 : i32
      %dma_wait3A_92 = arith.constant 0 : i32
      %dma_wait3A_93 = tpu.memref_slice %arg8[%run_scoped3A_30, %dma_wait3A_91, %dma_wait3A_92] : memref<2x128x128xf32, #tpu.memory_space<vmem>> -> memref<1x128x128xf32, #tpu.memory_space<vmem>>
      %dma_wait3A_94 = tpu.memref_squeeze %dma_wait3A_93 : memref<1x128x128xf32, #tpu.memory_space<vmem>> -> memref<128x128xf32, #tpu.memory_space<vmem>>
      %dma_wait3A_95 = arith.constant 0 : i32
      %dma_wait3A_96 = tpu.memref_slice %arg9[%add3A_29, %dma_wait3A_95] : memref<10240x128xf32, #tpu.memory_space<vmem_shared>> -> memref<128x128xf32, #tpu.memory_space<vmem_shared>>
      %dma_wait3A_97 = arith.constant 0 : i32
      %dma_wait3A_98 = tpu.memref_slice %arg9[%add3A_29, %dma_wait3A_97] : memref<10240x128xf32, #tpu.memory_space<vmem_shared>> -> memref<128x128xf32, #tpu.memory_space<vmem_shared>>
      %dma_wait3A_99 = arith.constant 0 : i32
      %dma_wait3A_100 = arith.constant 0 : i32
      %dma_wait3A_101 = tpu.memref_slice %arg8[%run_scoped3A_30, %dma_wait3A_99, %dma_wait3A_100] : memref<2x128x128xf32, #tpu.memory_space<vmem>> -> memref<1x128x128xf32, #tpu.memory_space<vmem>>
      %dma_wait3A_102 = tpu.memref_squeeze %dma_wait3A_101 : memref<1x128x128xf32, #tpu.memory_space<vmem>> -> memref<128x128xf32, #tpu.memory_space<vmem>>
      tpu.wait_dma2 semaphore(%run_scoped3A_78 : memref<!tpu.dma_semaphore, #tpu.memory_space<semaphore_mem>>) src(%dma_wait3A_102 : memref<128x128xf32, #tpu.memory_space<vmem>>) dst(%dma_wait3A_98 : memref<128x128xf32, #tpu.memory_space<vmem_shared>>)
      tpu.yield
    }) : () -> ()
    %barrier3A = arith.constant 0 : index
    tpu.barrier barrier_id(%barrier3A)
    "tpu.region"() ({
      %run_scoped3A_78 = tpu.sem_alloc : memref<!tpu.dma_semaphore, #tpu.memory_space<semaphore_mem>>
      %dma_start3A_79 = arith.constant 0 : i32
      %dma_start3A_80 = arith.constant 0 : i32
      %dma_start3A_81 = tpu.memref_slice %arg3[%add3A, %dma_start3A_79, %dma_start3A_80] : memref<32x79x128xi32, #tpu.memory_space<hbm>> -> memref<1x79x128xi32, #tpu.memory_space<hbm>>
      %dma_start3A_82 = tpu.memref_squeeze %dma_start3A_81 : memref<1x79x128xi32, #tpu.memory_space<hbm>> -> memref<79x128xi32, #tpu.memory_space<hbm>>
      %dma_start3A_83 = arith.constant 0 : i32
      %dma_start3A_84 = arith.constant 0 : i32
      %dma_start3A_85 = tpu.memref_slice %arg3[%add3A, %dma_start3A_83, %dma_start3A_84] : memref<32x79x128xi32, #tpu.memory_space<hbm>> -> memref<1x79x128xi32, #tpu.memory_space<hbm>>
      %dma_start3A_86 = tpu.memref_squeeze %dma_start3A_85 : memref<1x79x128xi32, #tpu.memory_space<hbm>> -> memref<79x128xi32, #tpu.memory_space<hbm>>
      tpu.enqueue_dma source(%dma_start3A_86 : memref<79x128xi32, #tpu.memory_space<hbm>>) target(%arg6 : memref<79x128xi32, #tpu.memory_space<vmem>>) target_semaphore(%run_scoped3A_78 : memref<!tpu.dma_semaphore, #tpu.memory_space<semaphore_mem>>)
      %dma_wait3A_87 = arith.constant 0 : i32
      %dma_wait3A_88 = arith.constant 0 : i32
      %dma_wait3A_89 = tpu.memref_slice %arg3[%add3A, %dma_wait3A_87, %dma_wait3A_88] : memref<32x79x128xi32, #tpu.memory_space<hbm>> -> memref<1x79x128xi32, #tpu.memory_space<hbm>>
      %dma_wait3A_90 = tpu.memref_squeeze %dma_wait3A_89 : memref<1x79x128xi32, #tpu.memory_space<hbm>> -> memref<79x128xi32, #tpu.memory_space<hbm>>
      %dma_wait3A_91 = arith.constant 0 : i32
      %dma_wait3A_92 = arith.constant 0 : i32
      %dma_wait3A_93 = tpu.memref_slice %arg3[%add3A, %dma_wait3A_91, %dma_wait3A_92] : memref<32x79x128xi32, #tpu.memory_space<hbm>> -> memref<1x79x128xi32, #tpu.memory_space<hbm>>
      %dma_wait3A_94 = tpu.memref_squeeze %dma_wait3A_93 : memref<1x79x128xi32, #tpu.memory_space<hbm>> -> memref<79x128xi32, #tpu.memory_space<hbm>>
      tpu.wait_dma2 semaphore(%run_scoped3A_78 : memref<!tpu.dma_semaphore, #tpu.memory_space<semaphore_mem>>) src(%dma_wait3A_94 : memref<79x128xi32, #tpu.memory_space<hbm>>) dst(%arg6 : memref<79x128xi32, #tpu.memory_space<vmem>>)
      tpu.yield
    }) : () -> ()
    %dma_start3A = arith.constant 0 : i32
    %dma_start3A_31 = arith.constant 0 : i32
    %dma_start3A_32 = arith.constant 0 : i32
    %dma_start3A_33 = arith.constant 0 : i32
    %dma_start3A_34 = tpu.memref_slice %arg8[%dma_start3A_31, %dma_start3A_32, %dma_start3A_33] : memref<2x128x128xf32, #tpu.memory_space<vmem>> -> memref<1x128x128xf32, #tpu.memory_space<vmem>>
    %dma_start3A_35 = tpu.memref_squeeze %dma_start3A_34 : memref<1x128x128xf32, #tpu.memory_space<vmem>> -> memref<128x128xf32, #tpu.memory_space<vmem>>
    %dma_start3A_36 = arith.constant 0 : i32
    %dma_start3A_37 = tpu.memref_slice %arg6[%dma_start3A, %dma_start3A_36] : memref<79x128xi32, #tpu.memory_space<vmem>> -> memref<1x128xi32, #tpu.memory_space<vmem>>
    %dma_start3A_38 = tpu.memref_squeeze %dma_start3A_37 : memref<1x128xi32, #tpu.memory_space<vmem>> -> memref<128xi32, #tpu.memory_space<vmem>>
    %dma_start3A_39 = arith.constant 0 : i32
    %dma_start3A_40 = arith.constant 0 : i32
    %dma_start3A_41 = tpu.memref_slice %arg2[%dma_start3A_39, %dma_start3A_40] : memref<10240x128xf32, #tpu.memory_space<hbm>> -> memref<10240x128xf32, #tpu.memory_space<hbm>>
    tpu.enqueue_indirect_dma source(%dma_start3A_41 : memref<10240x128xf32, #tpu.memory_space<hbm>>) target(%dma_start3A_35 : memref<128x128xf32, #tpu.memory_space<vmem>>) offsets(%dma_start3A_38 : memref<128xi32, #tpu.memory_space<vmem>>) semaphore(%arg10 : memref<!tpu.dma_semaphore, #tpu.memory_space<semaphore_mem>>)
    %dma_start3A_42 = arith.constant 0 : i32
    %dma_start3A_43 = arith.constant 0 : i32
    %dma_start3A_44 = arith.constant 0 : i32
    %dma_start3A_45 = tpu.memref_slice %arg7[%dma_start3A_43, %dma_start3A_44] : memref<2x128xi32, #tpu.memory_space<vmem>> -> memref<1x128xi32, #tpu.memory_space<vmem>>
    %dma_start3A_46 = tpu.memref_squeeze %dma_start3A_45 : memref<1x128xi32, #tpu.memory_space<vmem>> -> memref<128xi32, #tpu.memory_space<vmem>>
    %dma_start3A_47 = arith.constant 0 : i32
    %dma_start3A_48 = tpu.memref_slice %arg4[%add3A, %dma_start3A_42, %dma_start3A_47] : memref<32x79x128xi32, #tpu.memory_space<hbm>> -> memref<1x1x128xi32, #tpu.memory_space<hbm>>
    %dma_start3A_49 = tpu.memref_squeeze %dma_start3A_48 : memref<1x1x128xi32, #tpu.memory_space<hbm>> -> memref<128xi32, #tpu.memory_space<hbm>>
    %dma_start3A_50 = arith.constant 0 : i32
    %dma_start3A_51 = tpu.memref_slice %arg7[%dma_start3A_43, %dma_start3A_50] : memref<2x128xi32, #tpu.memory_space<vmem>> -> memref<1x128xi32, #tpu.memory_space<vmem>>
    %dma_start3A_52 = tpu.memref_squeeze %dma_start3A_51 : memref<1x128xi32, #tpu.memory_space<vmem>> -> memref<128xi32, #tpu.memory_space<vmem>>
    %dma_start3A_53 = arith.constant 0 : i32
    %dma_start3A_54 = tpu.memref_slice %arg4[%add3A, %dma_start3A_42, %dma_start3A_53] : memref<32x79x128xi32, #tpu.memory_space<hbm>> -> memref<1x1x128xi32, #tpu.memory_space<hbm>>
    %dma_start3A_55 = tpu.memref_squeeze %dma_start3A_54 : memref<1x1x128xi32, #tpu.memory_space<hbm>> -> memref<128xi32, #tpu.memory_space<hbm>>
    tpu.enqueue_dma source(%dma_start3A_55 : memref<128xi32, #tpu.memory_space<hbm>>) target(%dma_start3A_52 : memref<128xi32, #tpu.memory_space<vmem>>) target_semaphore(%arg11 : memref<!tpu.dma_semaphore, #tpu.memory_space<semaphore_mem>>)
    %scan3A_56 = arith.constant 0 : i32
    %scan3A_57 = arith.constant 0 : i32
    %scan3A_58 = arith.constant 79 : i32
    %scan3A_59 = arith.addi %scan3A_57, %scan3A_58 : i32
    %scan3A_60 = arith.constant 1 : i32
    scf.for %scan3A_78 = %scan3A_57 to %scan3A_59 step %scan3A_60  : i32 {
      %jit3A = arith.constant 2 : i32
      %eq3A = arith.constant 0 : i32
      %eq3A_79 = arith.cmpi eq, %jit3A, %eq3A : i32
      %jit3A_80 = arith.constant 1 : i32
      %select_n3A = arith.select %eq3A_79, %jit3A_80, %jit3A : i32
      %rem3A = arith.remsi %scan3A_78, %select_n3A : i32
      %ne3A = arith.constant 0 : i32
      %ne3A_81 = arith.cmpi ne, %rem3A, %ne3A : i32
      %lt3A = arith.constant 0 : i32
      %lt3A_82 = arith.cmpi slt, %rem3A, %lt3A : i32
      %lt3A_83 = arith.constant 0 : i32
      %lt3A_84 = arith.cmpi slt, %select_n3A, %lt3A_83 : i32
      %ne3A_85 = arith.xori %lt3A_82, %lt3A_84 : i1
      %and3A = arith.andi %ne3A_85, %ne3A_81 : i1
      %add3A_86 = arith.addi %rem3A, %select_n3A : i32
      %select_n3A_87 = arith.select %and3A, %add3A_86, %rem3A : i32
      %dma_wait3A_88 = arith.constant 0 : i32
      %dma_wait3A_89 = arith.constant 0 : i32
      %dma_wait3A_90 = tpu.memref_slice %arg8[%select_n3A_87, %dma_wait3A_88, %dma_wait3A_89] : memref<2x128x128xf32, #tpu.memory_space<vmem>> -> memref<1x128x128xf32, #tpu.memory_space<vmem>>
      %dma_wait3A_91 = tpu.memref_squeeze %dma_wait3A_90 : memref<1x128x128xf32, #tpu.memory_space<vmem>> -> memref<128x128xf32, #tpu.memory_space<vmem>>
      %dma_wait3A_92 = arith.constant 0 : i32
      %dma_wait3A_93 = tpu.memref_slice %arg6[%scan3A_78, %dma_wait3A_92] : memref<79x128xi32, #tpu.memory_space<vmem>> -> memref<1x128xi32, #tpu.memory_space<vmem>>
      %dma_wait3A_94 = tpu.memref_squeeze %dma_wait3A_93 : memref<1x128xi32, #tpu.memory_space<vmem>> -> memref<128xi32, #tpu.memory_space<vmem>>
      %dma_wait3A_95 = arith.constant 0 : i32
      %dma_wait3A_96 = arith.constant 0 : i32
      %dma_wait3A_97 = tpu.memref_slice %arg2[%dma_wait3A_95, %dma_wait3A_96] : memref<10240x128xf32, #tpu.memory_space<hbm>> -> memref<10240x128xf32, #tpu.memory_space<hbm>>
      tpu.wait_indirect_dma semaphore(%arg10 : memref<!tpu.dma_semaphore, #tpu.memory_space<semaphore_mem>>) src(%dma_wait3A_97 : memref<10240x128xf32, #tpu.memory_space<hbm>>) dst(%dma_wait3A_91 : memref<128x128xf32, #tpu.memory_space<vmem>>)
      %dma_wait3A_98 = arith.constant 0 : i32
      %dma_wait3A_99 = tpu.memref_slice %arg7[%select_n3A_87, %dma_wait3A_98] : memref<2x128xi32, #tpu.memory_space<vmem>> -> memref<1x128xi32, #tpu.memory_space<vmem>>
      %dma_wait3A_100 = tpu.memref_squeeze %dma_wait3A_99 : memref<1x128xi32, #tpu.memory_space<vmem>> -> memref<128xi32, #tpu.memory_space<vmem>>
      %dma_wait3A_101 = arith.constant 0 : i32
      %dma_wait3A_102 = tpu.memref_slice %arg4[%add3A, %scan3A_78, %dma_wait3A_101] : memref<32x79x128xi32, #tpu.memory_space<hbm>> -> memref<1x1x128xi32, #tpu.memory_space<hbm>>
      %dma_wait3A_103 = tpu.memref_squeeze %dma_wait3A_102 : memref<1x1x128xi32, #tpu.memory_space<hbm>> -> memref<128xi32, #tpu.memory_space<hbm>>
      %dma_wait3A_104 = arith.constant 0 : i32
      %dma_wait3A_105 = tpu.memref_slice %arg7[%select_n3A_87, %dma_wait3A_104] : memref<2x128xi32, #tpu.memory_space<vmem>> -> memref<1x128xi32, #tpu.memory_space<vmem>>
      %dma_wait3A_106 = tpu.memref_squeeze %dma_wait3A_105 : memref<1x128xi32, #tpu.memory_space<vmem>> -> memref<128xi32, #tpu.memory_space<vmem>>
      %dma_wait3A_107 = arith.constant 0 : i32
      %dma_wait3A_108 = tpu.memref_slice %arg4[%add3A, %scan3A_78, %dma_wait3A_107] : memref<32x79x128xi32, #tpu.memory_space<hbm>> -> memref<1x1x128xi32, #tpu.memory_space<hbm>>
      %dma_wait3A_109 = tpu.memref_squeeze %dma_wait3A_108 : memref<1x1x128xi32, #tpu.memory_space<hbm>> -> memref<128xi32, #tpu.memory_space<hbm>>
      tpu.wait_dma2 semaphore(%arg11 : memref<!tpu.dma_semaphore, #tpu.memory_space<semaphore_mem>>) src(%dma_wait3A_109 : memref<128xi32, #tpu.memory_space<hbm>>) dst(%dma_wait3A_106 : memref<128xi32, #tpu.memory_space<vmem>>)
      %ge3A = arith.constant 1 : i32
      %ge3A_110 = arith.cmpi sge, %scan3A_78, %ge3A : i32
      %convert_element_type3A = arith.extui %ge3A_110 : i1 to i32
      %cond3A = arith.constant 0 : i32
      %cond3A_111 = arith.cmpi ne, %convert_element_type3A, %cond3A : i32
      scf.if %cond3A_111 {
        %dma_wait3A_129 = arith.constant 0 : i32
        %dma_wait3A_130 = arith.constant 0 : i32
        %dma_wait3A_131 = tpu.memref_slice %arg8[%select_n3A_87, %dma_wait3A_129, %dma_wait3A_130] : memref<2x128x128xf32, #tpu.memory_space<vmem>> -> memref<1x128x128xf32, #tpu.memory_space<vmem>>
        %dma_wait3A_132 = tpu.memref_squeeze %dma_wait3A_131 : memref<1x128x128xf32, #tpu.memory_space<vmem>> -> memref<128x128xf32, #tpu.memory_space<vmem>>
        %dma_wait3A_133 = arith.constant 0 : i32
        %dma_wait3A_134 = tpu.memref_slice %arg7[%select_n3A_87, %dma_wait3A_133] : memref<2x128xi32, #tpu.memory_space<vmem>> -> memref<1x128xi32, #tpu.memory_space<vmem>>
        %dma_wait3A_135 = tpu.memref_squeeze %dma_wait3A_134 : memref<1x128xi32, #tpu.memory_space<vmem>> -> memref<128xi32, #tpu.memory_space<vmem>>
        %dma_wait3A_136 = arith.constant 0 : i32
        %dma_wait3A_137 = arith.constant 0 : i32
        %dma_wait3A_138 = tpu.memref_slice %arg9[%dma_wait3A_136, %dma_wait3A_137] : memref<10240x128xf32, #tpu.memory_space<vmem_shared>> -> memref<10240x128xf32, #tpu.memory_space<vmem_shared>>
        tpu.wait_indirect_dma semaphore(%arg12 : memref<!tpu.dma_semaphore, #tpu.memory_space<semaphore_mem>>) src(%dma_wait3A_132 : memref<128x128xf32, #tpu.memory_space<vmem>>) dst(%dma_wait3A_138 : memref<10240x128xf32, #tpu.memory_space<vmem_shared>>)
      } else {
      }
      %add3A_112 = arith.constant 1 : i32
      %add3A_113 = arith.addi %scan3A_78, %add3A_112 : i32
      %lt3A_114 = arith.constant 79 : i32
      %lt3A_115 = arith.cmpi slt, %add3A_113, %lt3A_114 : i32
      %convert_element_type3A_116 = arith.extui %lt3A_115 : i1 to i32
      %cond3A_117 = arith.constant 0 : i32
      %cond3A_118 = arith.cmpi ne, %convert_element_type3A_116, %cond3A_117 : i32
      scf.if %cond3A_118 {
        %add3A_129 = arith.constant 1 : i32
        %add3A_130 = arith.addi %scan3A_78, %add3A_129 : i32
        %sub3A = arith.constant 1 : i32
        %sub3A_131 = arith.subi %sub3A, %select_n3A_87 : i32
        %dma_start3A_132 = arith.constant 0 : i32
        %dma_start3A_133 = arith.constant 0 : i32
        %dma_start3A_134 = tpu.memref_slice %arg8[%sub3A_131, %dma_start3A_132, %dma_start3A_133] : memref<2x128x128xf32, #tpu.memory_space<vmem>> -> memref<1x128x128xf32, #tpu.memory_space<vmem>>
        %dma_start3A_135 = tpu.memref_squeeze %dma_start3A_134 : memref<1x128x128xf32, #tpu.memory_space<vmem>> -> memref<128x128xf32, #tpu.memory_space<vmem>>
        %dma_start3A_136 = arith.constant 0 : i32
        %dma_start3A_137 = tpu.memref_slice %arg6[%add3A_130, %dma_start3A_136] : memref<79x128xi32, #tpu.memory_space<vmem>> -> memref<1x128xi32, #tpu.memory_space<vmem>>
        %dma_start3A_138 = tpu.memref_squeeze %dma_start3A_137 : memref<1x128xi32, #tpu.memory_space<vmem>> -> memref<128xi32, #tpu.memory_space<vmem>>
        %dma_start3A_139 = arith.constant 0 : i32
        %dma_start3A_140 = arith.constant 0 : i32
        %dma_start3A_141 = tpu.memref_slice %arg2[%dma_start3A_139, %dma_start3A_140] : memref<10240x128xf32, #tpu.memory_space<hbm>> -> memref<10240x128xf32, #tpu.memory_space<hbm>>
        tpu.enqueue_indirect_dma source(%dma_start3A_141 : memref<10240x128xf32, #tpu.memory_space<hbm>>) target(%dma_start3A_135 : memref<128x128xf32, #tpu.memory_space<vmem>>) offsets(%dma_start3A_138 : memref<128xi32, #tpu.memory_space<vmem>>) semaphore(%arg10 : memref<!tpu.dma_semaphore, #tpu.memory_space<semaphore_mem>>)
        %add3A_142 = arith.constant 1 : i32
        %add3A_143 = arith.addi %scan3A_78, %add3A_142 : i32
        %sub3A_144 = arith.constant 1 : i32
        %sub3A_145 = arith.subi %sub3A_144, %select_n3A_87 : i32
        %dma_start3A_146 = arith.constant 0 : i32
        %dma_start3A_147 = tpu.memref_slice %arg7[%sub3A_145, %dma_start3A_146] : memref<2x128xi32, #tpu.memory_space<vmem>> -> memref<1x128xi32, #tpu.memory_space<vmem>>
        %dma_start3A_148 = tpu.memref_squeeze %dma_start3A_147 : memref<1x128xi32, #tpu.memory_space<vmem>> -> memref<128xi32, #tpu.memory_space<vmem>>
        %dma_start3A_149 = arith.constant 0 : i32
        %dma_start3A_150 = tpu.memref_slice %arg4[%add3A, %add3A_143, %dma_start3A_149] : memref<32x79x128xi32, #tpu.memory_space<hbm>> -> memref<1x1x128xi32, #tpu.memory_space<hbm>>
        %dma_start3A_151 = tpu.memref_squeeze %dma_start3A_150 : memref<1x1x128xi32, #tpu.memory_space<hbm>> -> memref<128xi32, #tpu.memory_space<hbm>>
        %dma_start3A_152 = arith.constant 0 : i32
        %dma_start3A_153 = tpu.memref_slice %arg7[%sub3A_145, %dma_start3A_152] : memref<2x128xi32, #tpu.memory_space<vmem>> -> memref<1x128xi32, #tpu.memory_space<vmem>>
        %dma_start3A_154 = tpu.memref_squeeze %dma_start3A_153 : memref<1x128xi32, #tpu.memory_space<vmem>> -> memref<128xi32, #tpu.memory_space<vmem>>
        %dma_start3A_155 = arith.constant 0 : i32
        %dma_start3A_156 = tpu.memref_slice %arg4[%add3A, %add3A_143, %dma_start3A_155] : memref<32x79x128xi32, #tpu.memory_space<hbm>> -> memref<1x1x128xi32, #tpu.memory_space<hbm>>
        %dma_start3A_157 = tpu.memref_squeeze %dma_start3A_156 : memref<1x1x128xi32, #tpu.memory_space<hbm>> -> memref<128xi32, #tpu.memory_space<hbm>>
        tpu.enqueue_dma source(%dma_start3A_157 : memref<128xi32, #tpu.memory_space<hbm>>) target(%dma_start3A_154 : memref<128xi32, #tpu.memory_space<vmem>>) target_semaphore(%arg11 : memref<!tpu.dma_semaphore, #tpu.memory_space<semaphore_mem>>)
      } else {
      }
      %dma_start3A_119 = arith.constant 0 : i32
      %dma_start3A_120 = arith.constant 0 : i32
      %dma_start3A_121 = tpu.memref_slice %arg8[%select_n3A_87, %dma_start3A_119, %dma_start3A_120] : memref<2x128x128xf32, #tpu.memory_space<vmem>> -> memref<1x128x128xf32, #tpu.memory_space<vmem>>
      %dma_start3A_122 = tpu.memref_squeeze %dma_start3A_121 : memref<1x128x128xf32, #tpu.memory_space<vmem>> -> memref<128x128xf32, #tpu.memory_space<vmem>>
      %dma_start3A_123 = arith.constant 0 : i32
      %dma_start3A_124 = tpu.memref_slice %arg7[%select_n3A_87, %dma_start3A_123] : memref<2x128xi32, #tpu.memory_space<vmem>> -> memref<1x128xi32, #tpu.memory_space<vmem>>
      %dma_start3A_125 = tpu.memref_squeeze %dma_start3A_124 : memref<1x128xi32, #tpu.memory_space<vmem>> -> memref<128xi32, #tpu.memory_space<vmem>>
      %dma_start3A_126 = arith.constant 0 : i32
      %dma_start3A_127 = arith.constant 0 : i32
      %dma_start3A_128 = tpu.memref_slice %arg9[%dma_start3A_126, %dma_start3A_127] : memref<10240x128xf32, #tpu.memory_space<vmem_shared>> -> memref<10240x128xf32, #tpu.memory_space<vmem_shared>>
      tpu.enqueue_indirect_dma source(%dma_start3A_122 : memref<128x128xf32, #tpu.memory_space<vmem>>) target(%dma_start3A_128 : memref<10240x128xf32, #tpu.memory_space<vmem_shared>>) offsets(%dma_start3A_125 : memref<128xi32, #tpu.memory_space<vmem>>) semaphore(%arg12 : memref<!tpu.dma_semaphore, #tpu.memory_space<semaphore_mem>>) {add = true}
    }
    %scan3A_61 = arith.constant 79 : i32
    %dma_wait3A = arith.constant 0 : i32
    %dma_wait3A_62 = arith.constant 0 : i32
    %dma_wait3A_63 = arith.constant 0 : i32
    %dma_wait3A_64 = arith.constant 0 : i32
    %dma_wait3A_65 = tpu.memref_slice %arg8[%dma_wait3A, %dma_wait3A_63, %dma_wait3A_64] : memref<2x128x128xf32, #tpu.memory_space<vmem>> -> memref<1x128x128xf32, #tpu.memory_space<vmem>>
    %dma_wait3A_66 = tpu.memref_squeeze %dma_wait3A_65 : memref<1x128x128xf32, #tpu.memory_space<vmem>> -> memref<128x128xf32, #tpu.memory_space<vmem>>
    %dma_wait3A_67 = arith.constant 0 : i32
    %dma_wait3A_68 = tpu.memref_slice %arg7[%dma_wait3A_62, %dma_wait3A_67] : memref<2x128xi32, #tpu.memory_space<vmem>> -> memref<1x128xi32, #tpu.memory_space<vmem>>
    %dma_wait3A_69 = tpu.memref_squeeze %dma_wait3A_68 : memref<1x128xi32, #tpu.memory_space<vmem>> -> memref<128xi32, #tpu.memory_space<vmem>>
    %dma_wait3A_70 = arith.constant 0 : i32
    %dma_wait3A_71 = arith.constant 0 : i32
    %dma_wait3A_72 = tpu.memref_slice %arg9[%dma_wait3A_70, %dma_wait3A_71] : memref<10240x128xf32, #tpu.memory_space<vmem_shared>> -> memref<10240x128xf32, #tpu.memory_space<vmem_shared>>
    tpu.wait_indirect_dma semaphore(%arg12 : memref<!tpu.dma_semaphore, #tpu.memory_space<semaphore_mem>>) src(%dma_wait3A_66 : memref<128x128xf32, #tpu.memory_space<vmem>>) dst(%dma_wait3A_72 : memref<10240x128xf32, #tpu.memory_space<vmem_shared>>)
    %barrier3A_73 = arith.constant 0 : index
    tpu.barrier barrier_id(%barrier3A_73)
    %mul3A_74 = arith.constant 640 : i32
    %mul3A_75 = arith.muli %arg1, %mul3A_74 : i32
    %mul3A_76 = arith.constant 640 : i32
    %mul3A_77 = arith.muli %arg1, %mul3A_76 : i32
    "tpu.region"() ({
      %run_scoped3A_78 = tpu.sem_alloc : memref<!tpu.dma_semaphore, #tpu.memory_space<semaphore_mem>>
      %dma_start3A_79 = arith.constant 0 : i32
      %dma_start3A_80 = tpu.memref_slice %arg5[%arg0, %mul3A_77, %dma_start3A_79] : memref<2x10240x128xf32, #tpu.memory_space<hbm>> -> memref<1x640x128xf32, #tpu.memory_space<hbm>>
      %dma_start3A_81 = tpu.memref_squeeze %dma_start3A_80 : memref<1x640x128xf32, #tpu.memory_space<hbm>> -> memref<640x128xf32, #tpu.memory_space<hbm>>
      %dma_start3A_82 = arith.constant 0 : i32
      %dma_start3A_83 = tpu.memref_slice %arg9[%mul3A_75, %dma_start3A_82] : memref<10240x128xf32, #tpu.memory_space<vmem_shared>> -> memref<640x128xf32, #tpu.memory_space<vmem_shared>>
      tpu.enqueue_dma source(%dma_start3A_83 : memref<640x128xf32, #tpu.memory_space<vmem_shared>>) target(%dma_start3A_81 : memref<640x128xf32, #tpu.memory_space<hbm>>) target_semaphore(%run_scoped3A_78 : memref<!tpu.dma_semaphore, #tpu.memory_space<semaphore_mem>>)
      %dma_wait3A_84 = arith.constant 0 : i32
      %dma_wait3A_85 = tpu.memref_slice %arg5[%arg0, %mul3A_77, %dma_wait3A_84] : memref<2x10240x128xf32, #tpu.memory_space<hbm>> -> memref<1x640x128xf32, #tpu.memory_space<hbm>>
      %dma_wait3A_86 = tpu.memref_squeeze %dma_wait3A_85 : memref<1x640x128xf32, #tpu.memory_space<hbm>> -> memref<640x128xf32, #tpu.memory_space<hbm>>
      %dma_wait3A_87 = arith.constant 0 : i32
      %dma_wait3A_88 = tpu.memref_slice %arg9[%mul3A_75, %dma_wait3A_87] : memref<10240x128xf32, #tpu.memory_space<vmem_shared>> -> memref<640x128xf32, #tpu.memory_space<vmem_shared>>
      tpu.wait_dma2 semaphore(%run_scoped3A_78 : memref<!tpu.dma_semaphore, #tpu.memory_space<semaphore_mem>>) src(%dma_wait3A_88 : memref<640x128xf32, #tpu.memory_space<vmem_shared>>) dst(%dma_wait3A_86 : memref<640x128xf32, #tpu.memory_space<hbm>>)
      tpu.yield
    }) : () -> ()
    return
  }
}

#map = affine_map<(d0, d1) -> (0, 0)>
#map1 = affine_map<(d0, d1) -> (0, 0, 0)>
module attributes {stable_mosaic.version = 14 : i64} {
  func.func @scatter_kernel(%arg0: i32, %arg1: i32, %arg2: memref<10240x64xf32, #tpu.memory_space<hbm>>, %arg3: memref<32x79x128xi32, #tpu.memory_space<hbm>>, %arg4: memref<32x79x128xi32, #tpu.memory_space<hbm>>, %arg5: memref<2x10240x64xf32, #tpu.memory_space<hbm>>, %arg6: memref<79x128xi32, #tpu.memory_space<vmem>>, %arg7: memref<2x128xi32, #tpu.memory_space<vmem>>, %arg8: memref<2x128x64xf32, #tpu.memory_space<vmem>>, %arg9: memref<10240x64xf32, #tpu.memory_space<vmem_shared>>, %arg10: memref<!tpu.dma_semaphore, #tpu.memory_space<semaphore_mem>>, %arg11: memref<!tpu.dma_semaphore, #tpu.memory_space<semaphore_mem>>, %arg12: memref<!tpu.dma_semaphore, #tpu.memory_space<semaphore_mem>>) attributes {dimension_semantics = [#tpu.dimension_semantics<core_parallel>, #tpu.dimension_semantics<subcore_parallel>], iteration_bounds = array<i64: 2, 16>, scalar_prefetch = 0 : i64, scratch_operands = 7 : i64, tpu.core_type = #tpu.core_type<sc_vector_subcore>, window_params = [{transform_indices = #map}, {transform_indices = #map1}, {transform_indices = #map1}, {transform_indices = #map1}]} {
    %mul3A = arith.constant 16 : i32
    %mul3A_0 = arith.muli %arg0, %mul3A : i32
    %add3A = arith.addi %mul3A_0, %arg1 : i32
    %scan3A = arith.constant 0 : i32
    %scan3A_1 = arith.constant 0 : i32
    %scan3A_2 = arith.constant 0 : i32
    %scan3A_3 = arith.constant 512 : i32
    %scan3A_4 = arith.addi %scan3A_2, %scan3A_3 : i32
    %scan3A_5 = arith.constant 1 : i32
    scf.for %scan3A_78 = %scan3A_2 to %scan3A_4 step %scan3A_5  : i32 {
      %jit3A = arith.constant 4 : i32
      %div3A = arith.divsi %scan3A_78, %jit3A : i32
      %sign3A = arith.constant 0 : i32
      %sign3A_79 = arith.cmpi sgt, %scan3A_78, %sign3A : i32
      %sign3A_80 = arith.extui %sign3A_79 : i1 to i32
      %sign3A_81 = arith.constant 0 : i32
      %sign3A_82 = arith.cmpi slt, %scan3A_78, %sign3A_81 : i32
      %sign3A_83 = arith.extui %sign3A_82 : i1 to i32
      %sign3A_84 = arith.subi %sign3A_80, %sign3A_83 : i32
      %sign3A_85 = arith.constant 0 : i32
      %sign3A_86 = arith.cmpi sgt, %jit3A, %sign3A_85 : i32
      %sign3A_87 = arith.extui %sign3A_86 : i1 to i32
      %sign3A_88 = arith.constant 0 : i32
      %sign3A_89 = arith.cmpi slt, %jit3A, %sign3A_88 : i32
      %sign3A_90 = arith.extui %sign3A_89 : i1 to i32
      %sign3A_91 = arith.subi %sign3A_87, %sign3A_90 : i32
      %ne3A = arith.cmpi ne, %sign3A_84, %sign3A_91 : i32
      %rem3A = arith.remsi %scan3A_78, %jit3A : i32
      %ne3A_92 = arith.constant 0 : i32
      %ne3A_93 = arith.cmpi ne, %rem3A, %ne3A_92 : i32
      %and3A = arith.andi %ne3A, %ne3A_93 : i1
      %sub3A = arith.constant 1 : i32
      %sub3A_94 = arith.subi %div3A, %sub3A : i32
      %select_n3A = arith.select %and3A, %sub3A_94, %div3A : i32
      %jit3A_95 = arith.constant 4 : i32
      %eq3A = arith.constant 0 : i32
      %eq3A_96 = arith.cmpi eq, %jit3A_95, %eq3A : i32
      %jit3A_97 = arith.constant 1 : i32
      %select_n3A_98 = arith.select %eq3A_96, %jit3A_97, %jit3A_95 : i32
      %rem3A_99 = arith.remsi %scan3A_78, %select_n3A_98 : i32
      %ne3A_100 = arith.constant 0 : i32
      %ne3A_101 = arith.cmpi ne, %rem3A_99, %ne3A_100 : i32
      %lt3A = arith.constant 0 : i32
      %lt3A_102 = arith.cmpi slt, %rem3A_99, %lt3A : i32
      %lt3A_103 = arith.constant 0 : i32
      %lt3A_104 = arith.cmpi slt, %select_n3A_98, %lt3A_103 : i32
      %ne3A_105 = arith.xori %lt3A_102, %lt3A_104 : i1
      %and3A_106 = arith.andi %ne3A_105, %ne3A_101 : i1
      %add3A_107 = arith.addi %rem3A_99, %select_n3A_98 : i32
      %select_n3A_108 = arith.select %and3A_106, %add3A_107, %rem3A_99 : i32
      %mul3A_109 = arith.constant 16 : i32
      %mul3A_110 = arith.muli %select_n3A_108, %mul3A_109 : i32
      %broadcast_in_dim3A = arith.constant 0.000000e+00 : f32
      %broadcast_in_dim3A_111 = vector.broadcast %broadcast_in_dim3A : f32 to vector<16xf32>
      %swap3A = arith.constant 0 : i32
      %swap3A_112 = arith.constant 0 : i32
      %swap3A_113 = tpu.memref_slice %arg8[%scan3A_1, %swap3A, %swap3A_112] : memref<2x128x64xf32, #tpu.memory_space<vmem>> -> memref<1x128x64xf32, #tpu.memory_space<vmem>>
      %swap3A_114 = tpu.memref_squeeze %swap3A_113 : memref<1x128x64xf32, #tpu.memory_space<vmem>> -> memref<128x64xf32, #tpu.memory_space<vmem>>
      %swap3A_115 = arith.index_cast %select_n3A : i32 to index
      %swap3A_116 = arith.index_cast %mul3A_110 : i32 to index
      %swap3A_117 = tpu.vector_load %swap3A_114[%swap3A_115, %swap3A_116] {strides = array<i32>} : memref<128x64xf32, #tpu.memory_space<vmem>>, vector<1x16xf32>,
      %swap3A_118 = vector.shape_cast %swap3A_117 : vector<1x16xf32> to vector<16xf32>
      %swap3A_119 = vector.shape_cast %broadcast_in_dim3A_111 : vector<16xf32> to vector<1x16xf32>
      tpu.vector_store %swap3A_114[%swap3A_115, %swap3A_116], %swap3A_119 {strides = array<i32>} : memref<128x64xf32, #tpu.memory_space<vmem>>, vector<1x16xf32>,
    }
    %scan3A_6 = arith.constant 512 : i32
    %mul3A_7 = arith.constant 640 : i32
    %mul3A_8 = arith.muli %arg1, %mul3A_7 : i32
    %add3A_9 = arith.constant 0 : i32
    %add3A_10 = arith.addi %mul3A_8, %add3A_9 : i32
    %run_scoped3A = arith.constant 0 : i32
    "tpu.region"() ({
      %run_scoped3A_78 = tpu.sem_alloc : memref<!tpu.dma_semaphore, #tpu.memory_space<semaphore_mem>>
      %dma_start3A_79 = arith.constant 0 : i32
      %dma_start3A_80 = arith.constant 0 : i32
      %dma_start3A_81 = tpu.memref_slice %arg8[%run_scoped3A, %dma_start3A_79, %dma_start3A_80] : memref<2x128x64xf32, #tpu.memory_space<vmem>> -> memref<1x128x64xf32, #tpu.memory_space<vmem>>
      %dma_start3A_82 = tpu.memref_squeeze %dma_start3A_81 : memref<1x128x64xf32, #tpu.memory_space<vmem>> -> memref<128x64xf32, #tpu.memory_space<vmem>>
      %dma_start3A_83 = arith.constant 0 : i32
      %dma_start3A_84 = tpu.memref_slice %arg9[%add3A_10, %dma_start3A_83] : memref<10240x64xf32, #tpu.memory_space<vmem_shared>> -> memref<128x64xf32, #tpu.memory_space<vmem_shared>>
      %dma_start3A_85 = arith.constant 0 : i32
      %dma_start3A_86 = tpu.memref_slice %arg9[%add3A_10, %dma_start3A_85] : memref<10240x64xf32, #tpu.memory_space<vmem_shared>> -> memref<128x64xf32, #tpu.memory_space<vmem_shared>>
      %dma_start3A_87 = arith.constant 0 : i32
      %dma_start3A_88 = arith.constant 0 : i32
      %dma_start3A_89 = tpu.memref_slice %arg8[%run_scoped3A, %dma_start3A_87, %dma_start3A_88] : memref<2x128x64xf32, #tpu.memory_space<vmem>> -> memref<1x128x64xf32, #tpu.memory_space<vmem>>
      %dma_start3A_90 = tpu.memref_squeeze %dma_start3A_89 : memref<1x128x64xf32, #tpu.memory_space<vmem>> -> memref<128x64xf32, #tpu.memory_space<vmem>>
      tpu.enqueue_dma source(%dma_start3A_90 : memref<128x64xf32, #tpu.memory_space<vmem>>) target(%dma_start3A_86 : memref<128x64xf32, #tpu.memory_space<vmem_shared>>) target_semaphore(%run_scoped3A_78 : memref<!tpu.dma_semaphore, #tpu.memory_space<semaphore_mem>>)
      %dma_wait3A_91 = arith.constant 0 : i32
      %dma_wait3A_92 = arith.constant 0 : i32
      %dma_wait3A_93 = tpu.memref_slice %arg8[%run_scoped3A, %dma_wait3A_91, %dma_wait3A_92] : memref<2x128x64xf32, #tpu.memory_space<vmem>> -> memref<1x128x64xf32, #tpu.memory_space<vmem>>
      %dma_wait3A_94 = tpu.memref_squeeze %dma_wait3A_93 : memref<1x128x64xf32, #tpu.memory_space<vmem>> -> memref<128x64xf32, #tpu.memory_space<vmem>>
      %dma_wait3A_95 = arith.constant 0 : i32
      %dma_wait3A_96 = tpu.memref_slice %arg9[%add3A_10, %dma_wait3A_95] : memref<10240x64xf32, #tpu.memory_space<vmem_shared>> -> memref<128x64xf32, #tpu.memory_space<vmem_shared>>
      %dma_wait3A_97 = arith.constant 0 : i32
      %dma_wait3A_98 = tpu.memref_slice %arg9[%add3A_10, %dma_wait3A_97] : memref<10240x64xf32, #tpu.memory_space<vmem_shared>> -> memref<128x64xf32, #tpu.memory_space<vmem_shared>>
      %dma_wait3A_99 = arith.constant 0 : i32
      %dma_wait3A_100 = arith.constant 0 : i32
      %dma_wait3A_101 = tpu.memref_slice %arg8[%run_scoped3A, %dma_wait3A_99, %dma_wait3A_100] : memref<2x128x64xf32, #tpu.memory_space<vmem>> -> memref<1x128x64xf32, #tpu.memory_space<vmem>>
      %dma_wait3A_102 = tpu.memref_squeeze %dma_wait3A_101 : memref<1x128x64xf32, #tpu.memory_space<vmem>> -> memref<128x64xf32, #tpu.memory_space<vmem>>
      tpu.wait_dma2 semaphore(%run_scoped3A_78 : memref<!tpu.dma_semaphore, #tpu.memory_space<semaphore_mem>>) src(%dma_wait3A_102 : memref<128x64xf32, #tpu.memory_space<vmem>>) dst(%dma_wait3A_98 : memref<128x64xf32, #tpu.memory_space<vmem_shared>>)
      tpu.yield
    }) : () -> ()
    %mul3A_11 = arith.constant 640 : i32
    %mul3A_12 = arith.muli %arg1, %mul3A_11 : i32
    %add3A_13 = arith.constant 128 : i32
    %add3A_14 = arith.addi %mul3A_12, %add3A_13 : i32
    %run_scoped3A_15 = arith.constant 0 : i32
    "tpu.region"() ({
      %run_scoped3A_78 = tpu.sem_alloc : memref<!tpu.dma_semaphore, #tpu.memory_space<semaphore_mem>>
      %dma_start3A_79 = arith.constant 0 : i32
      %dma_start3A_80 = arith.constant 0 : i32
      %dma_start3A_81 = tpu.memref_slice %arg8[%run_scoped3A_15, %dma_start3A_79, %dma_start3A_80] : memref<2x128x64xf32, #tpu.memory_space<vmem>> -> memref<1x128x64xf32, #tpu.memory_space<vmem>>
      %dma_start3A_82 = tpu.memref_squeeze %dma_start3A_81 : memref<1x128x64xf32, #tpu.memory_space<vmem>> -> memref<128x64xf32, #tpu.memory_space<vmem>>
      %dma_start3A_83 = arith.constant 0 : i32
      %dma_start3A_84 = tpu.memref_slice %arg9[%add3A_14, %dma_start3A_83] : memref<10240x64xf32, #tpu.memory_space<vmem_shared>> -> memref<128x64xf32, #tpu.memory_space<vmem_shared>>
      %dma_start3A_85 = arith.constant 0 : i32
      %dma_start3A_86 = tpu.memref_slice %arg9[%add3A_14, %dma_start3A_85] : memref<10240x64xf32, #tpu.memory_space<vmem_shared>> -> memref<128x64xf32, #tpu.memory_space<vmem_shared>>
      %dma_start3A_87 = arith.constant 0 : i32
      %dma_start3A_88 = arith.constant 0 : i32
      %dma_start3A_89 = tpu.memref_slice %arg8[%run_scoped3A_15, %dma_start3A_87, %dma_start3A_88] : memref<2x128x64xf32, #tpu.memory_space<vmem>> -> memref<1x128x64xf32, #tpu.memory_space<vmem>>
      %dma_start3A_90 = tpu.memref_squeeze %dma_start3A_89 : memref<1x128x64xf32, #tpu.memory_space<vmem>> -> memref<128x64xf32, #tpu.memory_space<vmem>>
      tpu.enqueue_dma source(%dma_start3A_90 : memref<128x64xf32, #tpu.memory_space<vmem>>) target(%dma_start3A_86 : memref<128x64xf32, #tpu.memory_space<vmem_shared>>) target_semaphore(%run_scoped3A_78 : memref<!tpu.dma_semaphore, #tpu.memory_space<semaphore_mem>>)
      %dma_wait3A_91 = arith.constant 0 : i32
      %dma_wait3A_92 = arith.constant 0 : i32
      %dma_wait3A_93 = tpu.memref_slice %arg8[%run_scoped3A_15, %dma_wait3A_91, %dma_wait3A_92] : memref<2x128x64xf32, #tpu.memory_space<vmem>> -> memref<1x128x64xf32, #tpu.memory_space<vmem>>
      %dma_wait3A_94 = tpu.memref_squeeze %dma_wait3A_93 : memref<1x128x64xf32, #tpu.memory_space<vmem>> -> memref<128x64xf32, #tpu.memory_space<vmem>>
      %dma_wait3A_95 = arith.constant 0 : i32
      %dma_wait3A_96 = tpu.memref_slice %arg9[%add3A_14, %dma_wait3A_95] : memref<10240x64xf32, #tpu.memory_space<vmem_shared>> -> memref<128x64xf32, #tpu.memory_space<vmem_shared>>
      %dma_wait3A_97 = arith.constant 0 : i32
      %dma_wait3A_98 = tpu.memref_slice %arg9[%add3A_14, %dma_wait3A_97] : memref<10240x64xf32, #tpu.memory_space<vmem_shared>> -> memref<128x64xf32, #tpu.memory_space<vmem_shared>>
      %dma_wait3A_99 = arith.constant 0 : i32
      %dma_wait3A_100 = arith.constant 0 : i32
      %dma_wait3A_101 = tpu.memref_slice %arg8[%run_scoped3A_15, %dma_wait3A_99, %dma_wait3A_100] : memref<2x128x64xf32, #tpu.memory_space<vmem>> -> memref<1x128x64xf32, #tpu.memory_space<vmem>>
      %dma_wait3A_102 = tpu.memref_squeeze %dma_wait3A_101 : memref<1x128x64xf32, #tpu.memory_space<vmem>> -> memref<128x64xf32, #tpu.memory_space<vmem>>
      tpu.wait_dma2 semaphore(%run_scoped3A_78 : memref<!tpu.dma_semaphore, #tpu.memory_space<semaphore_mem>>) src(%dma_wait3A_102 : memref<128x64xf32, #tpu.memory_space<vmem>>) dst(%dma_wait3A_98 : memref<128x64xf32, #tpu.memory_space<vmem_shared>>)
      tpu.yield
    }) : () -> ()
    %mul3A_16 = arith.constant 640 : i32
    %mul3A_17 = arith.muli %arg1, %mul3A_16 : i32
    %add3A_18 = arith.constant 256 : i32
    %add3A_19 = arith.addi %mul3A_17, %add3A_18 : i32
    %run_scoped3A_20 = arith.constant 0 : i32
    "tpu.region"() ({
      %run_scoped3A_78 = tpu.sem_alloc : memref<!tpu.dma_semaphore, #tpu.memory_space<semaphore_mem>>
      %dma_start3A_79 = arith.constant 0 : i32
      %dma_start3A_80 = arith.constant 0 : i32
      %dma_start3A_81 = tpu.memref_slice %arg8[%run_scoped3A_20, %dma_start3A_79, %dma_start3A_80] : memref<2x128x64xf32, #tpu.memory_space<vmem>> -> memref<1x128x64xf32, #tpu.memory_space<vmem>>
      %dma_start3A_82 = tpu.memref_squeeze %dma_start3A_81 : memref<1x128x64xf32, #tpu.memory_space<vmem>> -> memref<128x64xf32, #tpu.memory_space<vmem>>
      %dma_start3A_83 = arith.constant 0 : i32
      %dma_start3A_84 = tpu.memref_slice %arg9[%add3A_19, %dma_start3A_83] : memref<10240x64xf32, #tpu.memory_space<vmem_shared>> -> memref<128x64xf32, #tpu.memory_space<vmem_shared>>
      %dma_start3A_85 = arith.constant 0 : i32
      %dma_start3A_86 = tpu.memref_slice %arg9[%add3A_19, %dma_start3A_85] : memref<10240x64xf32, #tpu.memory_space<vmem_shared>> -> memref<128x64xf32, #tpu.memory_space<vmem_shared>>
      %dma_start3A_87 = arith.constant 0 : i32
      %dma_start3A_88 = arith.constant 0 : i32
      %dma_start3A_89 = tpu.memref_slice %arg8[%run_scoped3A_20, %dma_start3A_87, %dma_start3A_88] : memref<2x128x64xf32, #tpu.memory_space<vmem>> -> memref<1x128x64xf32, #tpu.memory_space<vmem>>
      %dma_start3A_90 = tpu.memref_squeeze %dma_start3A_89 : memref<1x128x64xf32, #tpu.memory_space<vmem>> -> memref<128x64xf32, #tpu.memory_space<vmem>>
      tpu.enqueue_dma source(%dma_start3A_90 : memref<128x64xf32, #tpu.memory_space<vmem>>) target(%dma_start3A_86 : memref<128x64xf32, #tpu.memory_space<vmem_shared>>) target_semaphore(%run_scoped3A_78 : memref<!tpu.dma_semaphore, #tpu.memory_space<semaphore_mem>>)
      %dma_wait3A_91 = arith.constant 0 : i32
      %dma_wait3A_92 = arith.constant 0 : i32
      %dma_wait3A_93 = tpu.memref_slice %arg8[%run_scoped3A_20, %dma_wait3A_91, %dma_wait3A_92] : memref<2x128x64xf32, #tpu.memory_space<vmem>> -> memref<1x128x64xf32, #tpu.memory_space<vmem>>
      %dma_wait3A_94 = tpu.memref_squeeze %dma_wait3A_93 : memref<1x128x64xf32, #tpu.memory_space<vmem>> -> memref<128x64xf32, #tpu.memory_space<vmem>>
      %dma_wait3A_95 = arith.constant 0 : i32
      %dma_wait3A_96 = tpu.memref_slice %arg9[%add3A_19, %dma_wait3A_95] : memref<10240x64xf32, #tpu.memory_space<vmem_shared>> -> memref<128x64xf32, #tpu.memory_space<vmem_shared>>
      %dma_wait3A_97 = arith.constant 0 : i32
      %dma_wait3A_98 = tpu.memref_slice %arg9[%add3A_19, %dma_wait3A_97] : memref<10240x64xf32, #tpu.memory_space<vmem_shared>> -> memref<128x64xf32, #tpu.memory_space<vmem_shared>>
      %dma_wait3A_99 = arith.constant 0 : i32
      %dma_wait3A_100 = arith.constant 0 : i32
      %dma_wait3A_101 = tpu.memref_slice %arg8[%run_scoped3A_20, %dma_wait3A_99, %dma_wait3A_100] : memref<2x128x64xf32, #tpu.memory_space<vmem>> -> memref<1x128x64xf32, #tpu.memory_space<vmem>>
      %dma_wait3A_102 = tpu.memref_squeeze %dma_wait3A_101 : memref<1x128x64xf32, #tpu.memory_space<vmem>> -> memref<128x64xf32, #tpu.memory_space<vmem>>
      tpu.wait_dma2 semaphore(%run_scoped3A_78 : memref<!tpu.dma_semaphore, #tpu.memory_space<semaphore_mem>>) src(%dma_wait3A_102 : memref<128x64xf32, #tpu.memory_space<vmem>>) dst(%dma_wait3A_98 : memref<128x64xf32, #tpu.memory_space<vmem_shared>>)
      tpu.yield
    }) : () -> ()
    %mul3A_21 = arith.constant 640 : i32
    %mul3A_22 = arith.muli %arg1, %mul3A_21 : i32
    %add3A_23 = arith.constant 384 : i32
    %add3A_24 = arith.addi %mul3A_22, %add3A_23 : i32
    %run_scoped3A_25 = arith.constant 0 : i32
    "tpu.region"() ({
      %run_scoped3A_78 = tpu.sem_alloc : memref<!tpu.dma_semaphore, #tpu.memory_space<semaphore_mem>>
      %dma_start3A_79 = arith.constant 0 : i32
      %dma_start3A_80 = arith.constant 0 : i32
      %dma_start3A_81 = tpu.memref_slice %arg8[%run_scoped3A_25, %dma_start3A_79, %dma_start3A_80] : memref<2x128x64xf32, #tpu.memory_space<vmem>> -> memref<1x128x64xf32, #tpu.memory_space<vmem>>
      %dma_start3A_82 = tpu.memref_squeeze %dma_start3A_81 : memref<1x128x64xf32, #tpu.memory_space<vmem>> -> memref<128x64xf32, #tpu.memory_space<vmem>>
      %dma_start3A_83 = arith.constant 0 : i32
      %dma_start3A_84 = tpu.memref_slice %arg9[%add3A_24, %dma_start3A_83] : memref<10240x64xf32, #tpu.memory_space<vmem_shared>> -> memref<128x64xf32, #tpu.memory_space<vmem_shared>>
      %dma_start3A_85 = arith.constant 0 : i32
      %dma_start3A_86 = tpu.memref_slice %arg9[%add3A_24, %dma_start3A_85] : memref<10240x64xf32, #tpu.memory_space<vmem_shared>> -> memref<128x64xf32, #tpu.memory_space<vmem_shared>>
      %dma_start3A_87 = arith.constant 0 : i32
      %dma_start3A_88 = arith.constant 0 : i32
      %dma_start3A_89 = tpu.memref_slice %arg8[%run_scoped3A_25, %dma_start3A_87, %dma_start3A_88] : memref<2x128x64xf32, #tpu.memory_space<vmem>> -> memref<1x128x64xf32, #tpu.memory_space<vmem>>
      %dma_start3A_90 = tpu.memref_squeeze %dma_start3A_89 : memref<1x128x64xf32, #tpu.memory_space<vmem>> -> memref<128x64xf32, #tpu.memory_space<vmem>>
      tpu.enqueue_dma source(%dma_start3A_90 : memref<128x64xf32, #tpu.memory_space<vmem>>) target(%dma_start3A_86 : memref<128x64xf32, #tpu.memory_space<vmem_shared>>) target_semaphore(%run_scoped3A_78 : memref<!tpu.dma_semaphore, #tpu.memory_space<semaphore_mem>>)
      %dma_wait3A_91 = arith.constant 0 : i32
      %dma_wait3A_92 = arith.constant 0 : i32
      %dma_wait3A_93 = tpu.memref_slice %arg8[%run_scoped3A_25, %dma_wait3A_91, %dma_wait3A_92] : memref<2x128x64xf32, #tpu.memory_space<vmem>> -> memref<1x128x64xf32, #tpu.memory_space<vmem>>
      %dma_wait3A_94 = tpu.memref_squeeze %dma_wait3A_93 : memref<1x128x64xf32, #tpu.memory_space<vmem>> -> memref<128x64xf32, #tpu.memory_space<vmem>>
      %dma_wait3A_95 = arith.constant 0 : i32
      %dma_wait3A_96 = tpu.memref_slice %arg9[%add3A_24, %dma_wait3A_95] : memref<10240x64xf32, #tpu.memory_space<vmem_shared>> -> memref<128x64xf32, #tpu.memory_space<vmem_shared>>
      %dma_wait3A_97 = arith.constant 0 : i32
      %dma_wait3A_98 = tpu.memref_slice %arg9[%add3A_24, %dma_wait3A_97] : memref<10240x64xf32, #tpu.memory_space<vmem_shared>> -> memref<128x64xf32, #tpu.memory_space<vmem_shared>>
      %dma_wait3A_99 = arith.constant 0 : i32
      %dma_wait3A_100 = arith.constant 0 : i32
      %dma_wait3A_101 = tpu.memref_slice %arg8[%run_scoped3A_25, %dma_wait3A_99, %dma_wait3A_100] : memref<2x128x64xf32, #tpu.memory_space<vmem>> -> memref<1x128x64xf32, #tpu.memory_space<vmem>>
      %dma_wait3A_102 = tpu.memref_squeeze %dma_wait3A_101 : memref<1x128x64xf32, #tpu.memory_space<vmem>> -> memref<128x64xf32, #tpu.memory_space<vmem>>
      tpu.wait_dma2 semaphore(%run_scoped3A_78 : memref<!tpu.dma_semaphore, #tpu.memory_space<semaphore_mem>>) src(%dma_wait3A_102 : memref<128x64xf32, #tpu.memory_space<vmem>>) dst(%dma_wait3A_98 : memref<128x64xf32, #tpu.memory_space<vmem_shared>>)
      tpu.yield
    }) : () -> ()
    %mul3A_26 = arith.constant 640 : i32
    %mul3A_27 = arith.muli %arg1, %mul3A_26 : i32
    %add3A_28 = arith.constant 512 : i32
    %add3A_29 = arith.addi %mul3A_27, %add3A_28 : i32
    %run_scoped3A_30 = arith.constant 0 : i32
    "tpu.region"() ({
      %run_scoped3A_78 = tpu.sem_alloc : memref<!tpu.dma_semaphore, #tpu.memory_space<semaphore_mem>>
      %dma_start3A_79 = arith.constant 0 : i32
      %dma_start3A_80 = arith.constant 0 : i32
      %dma_start3A_81 = tpu.memref_slice %arg8[%run_scoped3A_30, %dma_start3A_79, %dma_start3A_80] : memref<2x128x64xf32, #tpu.memory_space<vmem>> -> memref<1x128x64xf32, #tpu.memory_space<vmem>>
      %dma_start3A_82 = tpu.memref_squeeze %dma_start3A_81 : memref<1x128x64xf32, #tpu.memory_space<vmem>> -> memref<128x64xf32, #tpu.memory_space<vmem>>
      %dma_start3A_83 = arith.constant 0 : i32
      %dma_start3A_84 = tpu.memref_slice %arg9[%add3A_29, %dma_start3A_83] : memref<10240x64xf32, #tpu.memory_space<vmem_shared>> -> memref<128x64xf32, #tpu.memory_space<vmem_shared>>
      %dma_start3A_85 = arith.constant 0 : i32
      %dma_start3A_86 = tpu.memref_slice %arg9[%add3A_29, %dma_start3A_85] : memref<10240x64xf32, #tpu.memory_space<vmem_shared>> -> memref<128x64xf32, #tpu.memory_space<vmem_shared>>
      %dma_start3A_87 = arith.constant 0 : i32
      %dma_start3A_88 = arith.constant 0 : i32
      %dma_start3A_89 = tpu.memref_slice %arg8[%run_scoped3A_30, %dma_start3A_87, %dma_start3A_88] : memref<2x128x64xf32, #tpu.memory_space<vmem>> -> memref<1x128x64xf32, #tpu.memory_space<vmem>>
      %dma_start3A_90 = tpu.memref_squeeze %dma_start3A_89 : memref<1x128x64xf32, #tpu.memory_space<vmem>> -> memref<128x64xf32, #tpu.memory_space<vmem>>
      tpu.enqueue_dma source(%dma_start3A_90 : memref<128x64xf32, #tpu.memory_space<vmem>>) target(%dma_start3A_86 : memref<128x64xf32, #tpu.memory_space<vmem_shared>>) target_semaphore(%run_scoped3A_78 : memref<!tpu.dma_semaphore, #tpu.memory_space<semaphore_mem>>)
      %dma_wait3A_91 = arith.constant 0 : i32
      %dma_wait3A_92 = arith.constant 0 : i32
      %dma_wait3A_93 = tpu.memref_slice %arg8[%run_scoped3A_30, %dma_wait3A_91, %dma_wait3A_92] : memref<2x128x64xf32, #tpu.memory_space<vmem>> -> memref<1x128x64xf32, #tpu.memory_space<vmem>>
      %dma_wait3A_94 = tpu.memref_squeeze %dma_wait3A_93 : memref<1x128x64xf32, #tpu.memory_space<vmem>> -> memref<128x64xf32, #tpu.memory_space<vmem>>
      %dma_wait3A_95 = arith.constant 0 : i32
      %dma_wait3A_96 = tpu.memref_slice %arg9[%add3A_29, %dma_wait3A_95] : memref<10240x64xf32, #tpu.memory_space<vmem_shared>> -> memref<128x64xf32, #tpu.memory_space<vmem_shared>>
      %dma_wait3A_97 = arith.constant 0 : i32
      %dma_wait3A_98 = tpu.memref_slice %arg9[%add3A_29, %dma_wait3A_97] : memref<10240x64xf32, #tpu.memory_space<vmem_shared>> -> memref<128x64xf32, #tpu.memory_space<vmem_shared>>
      %dma_wait3A_99 = arith.constant 0 : i32
      %dma_wait3A_100 = arith.constant 0 : i32
      %dma_wait3A_101 = tpu.memref_slice %arg8[%run_scoped3A_30, %dma_wait3A_99, %dma_wait3A_100] : memref<2x128x64xf32, #tpu.memory_space<vmem>> -> memref<1x128x64xf32, #tpu.memory_space<vmem>>
      %dma_wait3A_102 = tpu.memref_squeeze %dma_wait3A_101 : memref<1x128x64xf32, #tpu.memory_space<vmem>> -> memref<128x64xf32, #tpu.memory_space<vmem>>
      tpu.wait_dma2 semaphore(%run_scoped3A_78 : memref<!tpu.dma_semaphore, #tpu.memory_space<semaphore_mem>>) src(%dma_wait3A_102 : memref<128x64xf32, #tpu.memory_space<vmem>>) dst(%dma_wait3A_98 : memref<128x64xf32, #tpu.memory_space<vmem_shared>>)
      tpu.yield
    }) : () -> ()
    %barrier3A = arith.constant 0 : index
    tpu.barrier barrier_id(%barrier3A)
    "tpu.region"() ({
      %run_scoped3A_78 = tpu.sem_alloc : memref<!tpu.dma_semaphore, #tpu.memory_space<semaphore_mem>>
      %dma_start3A_79 = arith.constant 0 : i32
      %dma_start3A_80 = arith.constant 0 : i32
      %dma_start3A_81 = tpu.memref_slice %arg3[%add3A, %dma_start3A_79, %dma_start3A_80] : memref<32x79x128xi32, #tpu.memory_space<hbm>> -> memref<1x79x128xi32, #tpu.memory_space<hbm>>
      %dma_start3A_82 = tpu.memref_squeeze %dma_start3A_81 : memref<1x79x128xi32, #tpu.memory_space<hbm>> -> memref<79x128xi32, #tpu.memory_space<hbm>>
      %dma_start3A_83 = arith.constant 0 : i32
      %dma_start3A_84 = arith.constant 0 : i32
      %dma_start3A_85 = tpu.memref_slice %arg3[%add3A, %dma_start3A_83, %dma_start3A_84] : memref<32x79x128xi32, #tpu.memory_space<hbm>> -> memref<1x79x128xi32, #tpu.memory_space<hbm>>
      %dma_start3A_86 = tpu.memref_squeeze %dma_start3A_85 : memref<1x79x128xi32, #tpu.memory_space<hbm>> -> memref<79x128xi32, #tpu.memory_space<hbm>>
      tpu.enqueue_dma source(%dma_start3A_86 : memref<79x128xi32, #tpu.memory_space<hbm>>) target(%arg6 : memref<79x128xi32, #tpu.memory_space<vmem>>) target_semaphore(%run_scoped3A_78 : memref<!tpu.dma_semaphore, #tpu.memory_space<semaphore_mem>>)
      %dma_wait3A_87 = arith.constant 0 : i32
      %dma_wait3A_88 = arith.constant 0 : i32
      %dma_wait3A_89 = tpu.memref_slice %arg3[%add3A, %dma_wait3A_87, %dma_wait3A_88] : memref<32x79x128xi32, #tpu.memory_space<hbm>> -> memref<1x79x128xi32, #tpu.memory_space<hbm>>
      %dma_wait3A_90 = tpu.memref_squeeze %dma_wait3A_89 : memref<1x79x128xi32, #tpu.memory_space<hbm>> -> memref<79x128xi32, #tpu.memory_space<hbm>>
      %dma_wait3A_91 = arith.constant 0 : i32
      %dma_wait3A_92 = arith.constant 0 : i32
      %dma_wait3A_93 = tpu.memref_slice %arg3[%add3A, %dma_wait3A_91, %dma_wait3A_92] : memref<32x79x128xi32, #tpu.memory_space<hbm>> -> memref<1x79x128xi32, #tpu.memory_space<hbm>>
      %dma_wait3A_94 = tpu.memref_squeeze %dma_wait3A_93 : memref<1x79x128xi32, #tpu.memory_space<hbm>> -> memref<79x128xi32, #tpu.memory_space<hbm>>
      tpu.wait_dma2 semaphore(%run_scoped3A_78 : memref<!tpu.dma_semaphore, #tpu.memory_space<semaphore_mem>>) src(%dma_wait3A_94 : memref<79x128xi32, #tpu.memory_space<hbm>>) dst(%arg6 : memref<79x128xi32, #tpu.memory_space<vmem>>)
      tpu.yield
    }) : () -> ()
    %dma_start3A = arith.constant 0 : i32
    %dma_start3A_31 = arith.constant 0 : i32
    %dma_start3A_32 = arith.constant 0 : i32
    %dma_start3A_33 = arith.constant 0 : i32
    %dma_start3A_34 = tpu.memref_slice %arg8[%dma_start3A_31, %dma_start3A_32, %dma_start3A_33] : memref<2x128x64xf32, #tpu.memory_space<vmem>> -> memref<1x128x64xf32, #tpu.memory_space<vmem>>
    %dma_start3A_35 = tpu.memref_squeeze %dma_start3A_34 : memref<1x128x64xf32, #tpu.memory_space<vmem>> -> memref<128x64xf32, #tpu.memory_space<vmem>>
    %dma_start3A_36 = arith.constant 0 : i32
    %dma_start3A_37 = tpu.memref_slice %arg6[%dma_start3A, %dma_start3A_36] : memref<79x128xi32, #tpu.memory_space<vmem>> -> memref<1x128xi32, #tpu.memory_space<vmem>>
    %dma_start3A_38 = tpu.memref_squeeze %dma_start3A_37 : memref<1x128xi32, #tpu.memory_space<vmem>> -> memref<128xi32, #tpu.memory_space<vmem>>
    %dma_start3A_39 = arith.constant 0 : i32
    %dma_start3A_40 = arith.constant 0 : i32
    %dma_start3A_41 = tpu.memref_slice %arg2[%dma_start3A_39, %dma_start3A_40] : memref<10240x64xf32, #tpu.memory_space<hbm>> -> memref<10240x64xf32, #tpu.memory_space<hbm>>
    tpu.enqueue_indirect_dma source(%dma_start3A_41 : memref<10240x64xf32, #tpu.memory_space<hbm>>) target(%dma_start3A_35 : memref<128x64xf32, #tpu.memory_space<vmem>>) offsets(%dma_start3A_38 : memref<128xi32, #tpu.memory_space<vmem>>) semaphore(%arg10 : memref<!tpu.dma_semaphore, #tpu.memory_space<semaphore_mem>>)
    %dma_start3A_42 = arith.constant 0 : i32
    %dma_start3A_43 = arith.constant 0 : i32
    %dma_start3A_44 = arith.constant 0 : i32
    %dma_start3A_45 = tpu.memref_slice %arg7[%dma_start3A_43, %dma_start3A_44] : memref<2x128xi32, #tpu.memory_space<vmem>> -> memref<1x128xi32, #tpu.memory_space<vmem>>
    %dma_start3A_46 = tpu.memref_squeeze %dma_start3A_45 : memref<1x128xi32, #tpu.memory_space<vmem>> -> memref<128xi32, #tpu.memory_space<vmem>>
    %dma_start3A_47 = arith.constant 0 : i32
    %dma_start3A_48 = tpu.memref_slice %arg4[%add3A, %dma_start3A_42, %dma_start3A_47] : memref<32x79x128xi32, #tpu.memory_space<hbm>> -> memref<1x1x128xi32, #tpu.memory_space<hbm>>
    %dma_start3A_49 = tpu.memref_squeeze %dma_start3A_48 : memref<1x1x128xi32, #tpu.memory_space<hbm>> -> memref<128xi32, #tpu.memory_space<hbm>>
    %dma_start3A_50 = arith.constant 0 : i32
    %dma_start3A_51 = tpu.memref_slice %arg7[%dma_start3A_43, %dma_start3A_50] : memref<2x128xi32, #tpu.memory_space<vmem>> -> memref<1x128xi32, #tpu.memory_space<vmem>>
    %dma_start3A_52 = tpu.memref_squeeze %dma_start3A_51 : memref<1x128xi32, #tpu.memory_space<vmem>> -> memref<128xi32, #tpu.memory_space<vmem>>
    %dma_start3A_53 = arith.constant 0 : i32
    %dma_start3A_54 = tpu.memref_slice %arg4[%add3A, %dma_start3A_42, %dma_start3A_53] : memref<32x79x128xi32, #tpu.memory_space<hbm>> -> memref<1x1x128xi32, #tpu.memory_space<hbm>>
    %dma_start3A_55 = tpu.memref_squeeze %dma_start3A_54 : memref<1x1x128xi32, #tpu.memory_space<hbm>> -> memref<128xi32, #tpu.memory_space<hbm>>
    tpu.enqueue_dma source(%dma_start3A_55 : memref<128xi32, #tpu.memory_space<hbm>>) target(%dma_start3A_52 : memref<128xi32, #tpu.memory_space<vmem>>) target_semaphore(%arg11 : memref<!tpu.dma_semaphore, #tpu.memory_space<semaphore_mem>>)
    %scan3A_56 = arith.constant 0 : i32
    %scan3A_57 = arith.constant 0 : i32
    %scan3A_58 = arith.constant 79 : i32
    %scan3A_59 = arith.addi %scan3A_57, %scan3A_58 : i32
    %scan3A_60 = arith.constant 1 : i32
    scf.for %scan3A_78 = %scan3A_57 to %scan3A_59 step %scan3A_60  : i32 {
      %jit3A = arith.constant 2 : i32
      %eq3A = arith.constant 0 : i32
      %eq3A_79 = arith.cmpi eq, %jit3A, %eq3A : i32
      %jit3A_80 = arith.constant 1 : i32
      %select_n3A = arith.select %eq3A_79, %jit3A_80, %jit3A : i32
      %rem3A = arith.remsi %scan3A_78, %select_n3A : i32
      %ne3A = arith.constant 0 : i32
      %ne3A_81 = arith.cmpi ne, %rem3A, %ne3A : i32
      %lt3A = arith.constant 0 : i32
      %lt3A_82 = arith.cmpi slt, %rem3A, %lt3A : i32
      %lt3A_83 = arith.constant 0 : i32
      %lt3A_84 = arith.cmpi slt, %select_n3A, %lt3A_83 : i32
      %ne3A_85 = arith.xori %lt3A_82, %lt3A_84 : i1
      %and3A = arith.andi %ne3A_85, %ne3A_81 : i1
      %add3A_86 = arith.addi %rem3A, %select_n3A : i32
      %select_n3A_87 = arith.select %and3A, %add3A_86, %rem3A : i32
      %dma_wait3A_88 = arith.constant 0 : i32
      %dma_wait3A_89 = arith.constant 0 : i32
      %dma_wait3A_90 = tpu.memref_slice %arg8[%select_n3A_87, %dma_wait3A_88, %dma_wait3A_89] : memref<2x128x64xf32, #tpu.memory_space<vmem>> -> memref<1x128x64xf32, #tpu.memory_space<vmem>>
      %dma_wait3A_91 = tpu.memref_squeeze %dma_wait3A_90 : memref<1x128x64xf32, #tpu.memory_space<vmem>> -> memref<128x64xf32, #tpu.memory_space<vmem>>
      %dma_wait3A_92 = arith.constant 0 : i32
      %dma_wait3A_93 = tpu.memref_slice %arg6[%scan3A_78, %dma_wait3A_92] : memref<79x128xi32, #tpu.memory_space<vmem>> -> memref<1x128xi32, #tpu.memory_space<vmem>>
      %dma_wait3A_94 = tpu.memref_squeeze %dma_wait3A_93 : memref<1x128xi32, #tpu.memory_space<vmem>> -> memref<128xi32, #tpu.memory_space<vmem>>
      %dma_wait3A_95 = arith.constant 0 : i32
      %dma_wait3A_96 = arith.constant 0 : i32
      %dma_wait3A_97 = tpu.memref_slice %arg2[%dma_wait3A_95, %dma_wait3A_96] : memref<10240x64xf32, #tpu.memory_space<hbm>> -> memref<10240x64xf32, #tpu.memory_space<hbm>>
      tpu.wait_indirect_dma semaphore(%arg10 : memref<!tpu.dma_semaphore, #tpu.memory_space<semaphore_mem>>) src(%dma_wait3A_97 : memref<10240x64xf32, #tpu.memory_space<hbm>>) dst(%dma_wait3A_91 : memref<128x64xf32, #tpu.memory_space<vmem>>)
      %dma_wait3A_98 = arith.constant 0 : i32
      %dma_wait3A_99 = tpu.memref_slice %arg7[%select_n3A_87, %dma_wait3A_98] : memref<2x128xi32, #tpu.memory_space<vmem>> -> memref<1x128xi32, #tpu.memory_space<vmem>>
      %dma_wait3A_100 = tpu.memref_squeeze %dma_wait3A_99 : memref<1x128xi32, #tpu.memory_space<vmem>> -> memref<128xi32, #tpu.memory_space<vmem>>
      %dma_wait3A_101 = arith.constant 0 : i32
      %dma_wait3A_102 = tpu.memref_slice %arg4[%add3A, %scan3A_78, %dma_wait3A_101] : memref<32x79x128xi32, #tpu.memory_space<hbm>> -> memref<1x1x128xi32, #tpu.memory_space<hbm>>
      %dma_wait3A_103 = tpu.memref_squeeze %dma_wait3A_102 : memref<1x1x128xi32, #tpu.memory_space<hbm>> -> memref<128xi32, #tpu.memory_space<hbm>>
      %dma_wait3A_104 = arith.constant 0 : i32
      %dma_wait3A_105 = tpu.memref_slice %arg7[%select_n3A_87, %dma_wait3A_104] : memref<2x128xi32, #tpu.memory_space<vmem>> -> memref<1x128xi32, #tpu.memory_space<vmem>>
      %dma_wait3A_106 = tpu.memref_squeeze %dma_wait3A_105 : memref<1x128xi32, #tpu.memory_space<vmem>> -> memref<128xi32, #tpu.memory_space<vmem>>
      %dma_wait3A_107 = arith.constant 0 : i32
      %dma_wait3A_108 = tpu.memref_slice %arg4[%add3A, %scan3A_78, %dma_wait3A_107] : memref<32x79x128xi32, #tpu.memory_space<hbm>> -> memref<1x1x128xi32, #tpu.memory_space<hbm>>
      %dma_wait3A_109 = tpu.memref_squeeze %dma_wait3A_108 : memref<1x1x128xi32, #tpu.memory_space<hbm>> -> memref<128xi32, #tpu.memory_space<hbm>>
      tpu.wait_dma2 semaphore(%arg11 : memref<!tpu.dma_semaphore, #tpu.memory_space<semaphore_mem>>) src(%dma_wait3A_109 : memref<128xi32, #tpu.memory_space<hbm>>) dst(%dma_wait3A_106 : memref<128xi32, #tpu.memory_space<vmem>>)
      %ge3A = arith.constant 1 : i32
      %ge3A_110 = arith.cmpi sge, %scan3A_78, %ge3A : i32
      %convert_element_type3A = arith.extui %ge3A_110 : i1 to i32
      %cond3A = arith.constant 0 : i32
      %cond3A_111 = arith.cmpi ne, %convert_element_type3A, %cond3A : i32
      scf.if %cond3A_111 {
        %dma_wait3A_129 = arith.constant 0 : i32
        %dma_wait3A_130 = arith.constant 0 : i32
        %dma_wait3A_131 = tpu.memref_slice %arg8[%select_n3A_87, %dma_wait3A_129, %dma_wait3A_130] : memref<2x128x64xf32, #tpu.memory_space<vmem>> -> memref<1x128x64xf32, #tpu.memory_space<vmem>>
        %dma_wait3A_132 = tpu.memref_squeeze %dma_wait3A_131 : memref<1x128x64xf32, #tpu.memory_space<vmem>> -> memref<128x64xf32, #tpu.memory_space<vmem>>
        %dma_wait3A_133 = arith.constant 0 : i32
        %dma_wait3A_134 = tpu.memref_slice %arg7[%select_n3A_87, %dma_wait3A_133] : memref<2x128xi32, #tpu.memory_space<vmem>> -> memref<1x128xi32, #tpu.memory_space<vmem>>
        %dma_wait3A_135 = tpu.memref_squeeze %dma_wait3A_134 : memref<1x128xi32, #tpu.memory_space<vmem>> -> memref<128xi32, #tpu.memory_space<vmem>>
        %dma_wait3A_136 = arith.constant 0 : i32
        %dma_wait3A_137 = arith.constant 0 : i32
        %dma_wait3A_138 = tpu.memref_slice %arg9[%dma_wait3A_136, %dma_wait3A_137] : memref<10240x64xf32, #tpu.memory_space<vmem_shared>> -> memref<10240x64xf32, #tpu.memory_space<vmem_shared>>
        tpu.wait_indirect_dma semaphore(%arg12 : memref<!tpu.dma_semaphore, #tpu.memory_space<semaphore_mem>>) src(%dma_wait3A_132 : memref<128x64xf32, #tpu.memory_space<vmem>>) dst(%dma_wait3A_138 : memref<10240x64xf32, #tpu.memory_space<vmem_shared>>)
      } else {
      }
      %add3A_112 = arith.constant 1 : i32
      %add3A_113 = arith.addi %scan3A_78, %add3A_112 : i32
      %lt3A_114 = arith.constant 79 : i32
      %lt3A_115 = arith.cmpi slt, %add3A_113, %lt3A_114 : i32
      %convert_element_type3A_116 = arith.extui %lt3A_115 : i1 to i32
      %cond3A_117 = arith.constant 0 : i32
      %cond3A_118 = arith.cmpi ne, %convert_element_type3A_116, %cond3A_117 : i32
      scf.if %cond3A_118 {
        %add3A_129 = arith.constant 1 : i32
        %add3A_130 = arith.addi %scan3A_78, %add3A_129 : i32
        %sub3A = arith.constant 1 : i32
        %sub3A_131 = arith.subi %sub3A, %select_n3A_87 : i32
        %dma_start3A_132 = arith.constant 0 : i32
        %dma_start3A_133 = arith.constant 0 : i32
        %dma_start3A_134 = tpu.memref_slice %arg8[%sub3A_131, %dma_start3A_132, %dma_start3A_133] : memref<2x128x64xf32, #tpu.memory_space<vmem>> -> memref<1x128x64xf32, #tpu.memory_space<vmem>>
        %dma_start3A_135 = tpu.memref_squeeze %dma_start3A_134 : memref<1x128x64xf32, #tpu.memory_space<vmem>> -> memref<128x64xf32, #tpu.memory_space<vmem>>
        %dma_start3A_136 = arith.constant 0 : i32
        %dma_start3A_137 = tpu.memref_slice %arg6[%add3A_130, %dma_start3A_136] : memref<79x128xi32, #tpu.memory_space<vmem>> -> memref<1x128xi32, #tpu.memory_space<vmem>>
        %dma_start3A_138 = tpu.memref_squeeze %dma_start3A_137 : memref<1x128xi32, #tpu.memory_space<vmem>> -> memref<128xi32, #tpu.memory_space<vmem>>
        %dma_start3A_139 = arith.constant 0 : i32
        %dma_start3A_140 = arith.constant 0 : i32
        %dma_start3A_141 = tpu.memref_slice %arg2[%dma_start3A_139, %dma_start3A_140] : memref<10240x64xf32, #tpu.memory_space<hbm>> -> memref<10240x64xf32, #tpu.memory_space<hbm>>
        tpu.enqueue_indirect_dma source(%dma_start3A_141 : memref<10240x64xf32, #tpu.memory_space<hbm>>) target(%dma_start3A_135 : memref<128x64xf32, #tpu.memory_space<vmem>>) offsets(%dma_start3A_138 : memref<128xi32, #tpu.memory_space<vmem>>) semaphore(%arg10 : memref<!tpu.dma_semaphore, #tpu.memory_space<semaphore_mem>>)
        %add3A_142 = arith.constant 1 : i32
        %add3A_143 = arith.addi %scan3A_78, %add3A_142 : i32
        %sub3A_144 = arith.constant 1 : i32
        %sub3A_145 = arith.subi %sub3A_144, %select_n3A_87 : i32
        %dma_start3A_146 = arith.constant 0 : i32
        %dma_start3A_147 = tpu.memref_slice %arg7[%sub3A_145, %dma_start3A_146] : memref<2x128xi32, #tpu.memory_space<vmem>> -> memref<1x128xi32, #tpu.memory_space<vmem>>
        %dma_start3A_148 = tpu.memref_squeeze %dma_start3A_147 : memref<1x128xi32, #tpu.memory_space<vmem>> -> memref<128xi32, #tpu.memory_space<vmem>>
        %dma_start3A_149 = arith.constant 0 : i32
        %dma_start3A_150 = tpu.memref_slice %arg4[%add3A, %add3A_143, %dma_start3A_149] : memref<32x79x128xi32, #tpu.memory_space<hbm>> -> memref<1x1x128xi32, #tpu.memory_space<hbm>>
        %dma_start3A_151 = tpu.memref_squeeze %dma_start3A_150 : memref<1x1x128xi32, #tpu.memory_space<hbm>> -> memref<128xi32, #tpu.memory_space<hbm>>
        %dma_start3A_152 = arith.constant 0 : i32
        %dma_start3A_153 = tpu.memref_slice %arg7[%sub3A_145, %dma_start3A_152] : memref<2x128xi32, #tpu.memory_space<vmem>> -> memref<1x128xi32, #tpu.memory_space<vmem>>
        %dma_start3A_154 = tpu.memref_squeeze %dma_start3A_153 : memref<1x128xi32, #tpu.memory_space<vmem>> -> memref<128xi32, #tpu.memory_space<vmem>>
        %dma_start3A_155 = arith.constant 0 : i32
        %dma_start3A_156 = tpu.memref_slice %arg4[%add3A, %add3A_143, %dma_start3A_155] : memref<32x79x128xi32, #tpu.memory_space<hbm>> -> memref<1x1x128xi32, #tpu.memory_space<hbm>>
        %dma_start3A_157 = tpu.memref_squeeze %dma_start3A_156 : memref<1x1x128xi32, #tpu.memory_space<hbm>> -> memref<128xi32, #tpu.memory_space<hbm>>
        tpu.enqueue_dma source(%dma_start3A_157 : memref<128xi32, #tpu.memory_space<hbm>>) target(%dma_start3A_154 : memref<128xi32, #tpu.memory_space<vmem>>) target_semaphore(%arg11 : memref<!tpu.dma_semaphore, #tpu.memory_space<semaphore_mem>>)
      } else {
      }
      %dma_start3A_119 = arith.constant 0 : i32
      %dma_start3A_120 = arith.constant 0 : i32
      %dma_start3A_121 = tpu.memref_slice %arg8[%select_n3A_87, %dma_start3A_119, %dma_start3A_120] : memref<2x128x64xf32, #tpu.memory_space<vmem>> -> memref<1x128x64xf32, #tpu.memory_space<vmem>>
      %dma_start3A_122 = tpu.memref_squeeze %dma_start3A_121 : memref<1x128x64xf32, #tpu.memory_space<vmem>> -> memref<128x64xf32, #tpu.memory_space<vmem>>
      %dma_start3A_123 = arith.constant 0 : i32
      %dma_start3A_124 = tpu.memref_slice %arg7[%select_n3A_87, %dma_start3A_123] : memref<2x128xi32, #tpu.memory_space<vmem>> -> memref<1x128xi32, #tpu.memory_space<vmem>>
      %dma_start3A_125 = tpu.memref_squeeze %dma_start3A_124 : memref<1x128xi32, #tpu.memory_space<vmem>> -> memref<128xi32, #tpu.memory_space<vmem>>
      %dma_start3A_126 = arith.constant 0 : i32
      %dma_start3A_127 = arith.constant 0 : i32
      %dma_start3A_128 = tpu.memref_slice %arg9[%dma_start3A_126, %dma_start3A_127] : memref<10240x64xf32, #tpu.memory_space<vmem_shared>> -> memref<10240x64xf32, #tpu.memory_space<vmem_shared>>
      tpu.enqueue_indirect_dma source(%dma_start3A_122 : memref<128x64xf32, #tpu.memory_space<vmem>>) target(%dma_start3A_128 : memref<10240x64xf32, #tpu.memory_space<vmem_shared>>) offsets(%dma_start3A_125 : memref<128xi32, #tpu.memory_space<vmem>>) semaphore(%arg12 : memref<!tpu.dma_semaphore, #tpu.memory_space<semaphore_mem>>) {add = true}
    }
    %scan3A_61 = arith.constant 79 : i32
    %dma_wait3A = arith.constant 0 : i32
    %dma_wait3A_62 = arith.constant 0 : i32
    %dma_wait3A_63 = arith.constant 0 : i32
    %dma_wait3A_64 = arith.constant 0 : i32
    %dma_wait3A_65 = tpu.memref_slice %arg8[%dma_wait3A, %dma_wait3A_63, %dma_wait3A_64] : memref<2x128x64xf32, #tpu.memory_space<vmem>> -> memref<1x128x64xf32, #tpu.memory_space<vmem>>
    %dma_wait3A_66 = tpu.memref_squeeze %dma_wait3A_65 : memref<1x128x64xf32, #tpu.memory_space<vmem>> -> memref<128x64xf32, #tpu.memory_space<vmem>>
    %dma_wait3A_67 = arith.constant 0 : i32
    %dma_wait3A_68 = tpu.memref_slice %arg7[%dma_wait3A_62, %dma_wait3A_67] : memref<2x128xi32, #tpu.memory_space<vmem>> -> memref<1x128xi32, #tpu.memory_space<vmem>>
    %dma_wait3A_69 = tpu.memref_squeeze %dma_wait3A_68 : memref<1x128xi32, #tpu.memory_space<vmem>> -> memref<128xi32, #tpu.memory_space<vmem>>
    %dma_wait3A_70 = arith.constant 0 : i32
    %dma_wait3A_71 = arith.constant 0 : i32
    %dma_wait3A_72 = tpu.memref_slice %arg9[%dma_wait3A_70, %dma_wait3A_71] : memref<10240x64xf32, #tpu.memory_space<vmem_shared>> -> memref<10240x64xf32, #tpu.memory_space<vmem_shared>>
    tpu.wait_indirect_dma semaphore(%arg12 : memref<!tpu.dma_semaphore, #tpu.memory_space<semaphore_mem>>) src(%dma_wait3A_66 : memref<128x64xf32, #tpu.memory_space<vmem>>) dst(%dma_wait3A_72 : memref<10240x64xf32, #tpu.memory_space<vmem_shared>>)
    %barrier3A_73 = arith.constant 0 : index
    tpu.barrier barrier_id(%barrier3A_73)
    %mul3A_74 = arith.constant 640 : i32
    %mul3A_75 = arith.muli %arg1, %mul3A_74 : i32
    %mul3A_76 = arith.constant 640 : i32
    %mul3A_77 = arith.muli %arg1, %mul3A_76 : i32
    "tpu.region"() ({
      %run_scoped3A_78 = tpu.sem_alloc : memref<!tpu.dma_semaphore, #tpu.memory_space<semaphore_mem>>
      %dma_start3A_79 = arith.constant 0 : i32
      %dma_start3A_80 = tpu.memref_slice %arg5[%arg0, %mul3A_77, %dma_start3A_79] : memref<2x10240x64xf32, #tpu.memory_space<hbm>> -> memref<1x640x64xf32, #tpu.memory_space<hbm>>
      %dma_start3A_81 = tpu.memref_squeeze %dma_start3A_80 : memref<1x640x64xf32, #tpu.memory_space<hbm>> -> memref<640x64xf32, #tpu.memory_space<hbm>>
      %dma_start3A_82 = arith.constant 0 : i32
      %dma_start3A_83 = tpu.memref_slice %arg9[%mul3A_75, %dma_start3A_82] : memref<10240x64xf32, #tpu.memory_space<vmem_shared>> -> memref<640x64xf32, #tpu.memory_space<vmem_shared>>
      tpu.enqueue_dma source(%dma_start3A_83 : memref<640x64xf32, #tpu.memory_space<vmem_shared>>) target(%dma_start3A_81 : memref<640x64xf32, #tpu.memory_space<hbm>>) target_semaphore(%run_scoped3A_78 : memref<!tpu.dma_semaphore, #tpu.memory_space<semaphore_mem>>)
      %dma_wait3A_84 = arith.constant 0 : i32
      %dma_wait3A_85 = tpu.memref_slice %arg5[%arg0, %mul3A_77, %dma_wait3A_84] : memref<2x10240x64xf32, #tpu.memory_space<hbm>> -> memref<1x640x64xf32, #tpu.memory_space<hbm>>
      %dma_wait3A_86 = tpu.memref_squeeze %dma_wait3A_85 : memref<1x640x64xf32, #tpu.memory_space<hbm>> -> memref<640x64xf32, #tpu.memory_space<hbm>>
      %dma_wait3A_87 = arith.constant 0 : i32
      %dma_wait3A_88 = tpu.memref_slice %arg9[%mul3A_75, %dma_wait3A_87] : memref<10240x64xf32, #tpu.memory_space<vmem_shared>> -> memref<640x64xf32, #tpu.memory_space<vmem_shared>>
      tpu.wait_dma2 semaphore(%run_scoped3A_78 : memref<!tpu.dma_semaphore, #tpu.memory_space<semaphore_mem>>) src(%dma_wait3A_88 : memref<640x64xf32, #tpu.memory_space<vmem_shared>>) dst(%dma_wait3A_86 : memref<640x64xf32, #tpu.memory_space<hbm>>)
      tpu.yield
    }) : () -> ()
    return
  }
}

module attributes {stable_mosaic.version = 14 : i64} {
  func.func @_k1_body(%arg0: i32, %arg1: memref<1024x128xf32, #tpu.memory_space<vmem>>, %arg2: memref<128x128xf32, #tpu.memory_space<vmem>>, %arg3: memref<2x1024xf32, #tpu.memory_space<vmem>>, %arg4: memref<1024x128xf32, #tpu.memory_space<vmem>>) attributes {dimension_semantics = [#tpu.dimension_semantics<arbitrary>], iteration_bounds = array<i64: 10>, scalar_prefetch = 0 : i64, scratch_operands = 0 : i64, tpu.core_type = #tpu.core_type<tc>, window_params = [{transform_indices = @transform_0, window_bounds = array<i64: 1024, 128>}, {pipeline_mode = #tpu.pipeline_mode<synchronous>, transform_indices = @transform_1, window_bounds = array<i64: 128, 128>}, {transform_indices = @transform_2, window_bounds = array<i64: 2, 1024>}, {transform_indices = @transform_3, window_bounds = array<i64: 1024, 128>}]} {
    %get3A = arith.constant 0 : index
    %get3A_0 = arith.constant 0 : index
    %get3A_1 = vector.load %arg1[%get3A, %get3A_0] : memref<1024x128xf32, #tpu.memory_space<vmem>>, vector<1024x128xf32>
    %get3A_2 = arith.constant 0 : index
    %get3A_3 = arith.constant 0 : index
    %get3A_4 = vector.load %arg2[%get3A_2, %get3A_3] : memref<128x128xf32, #tpu.memory_space<vmem>>, vector<128x128xf32>
    %dot_general3A = arith.constant dense<0.000000e+00> : vector<1024x128xf32>
    %dot_general3A_5 = tpu.matmul %get3A_1, %get3A_4, %dot_general3A {dimension_numbers = #tpu.dot_dimension_numbers<[1], [0], [0], [1], [0, 0, 1, 1], [], []>, transpose_lhs_hint = false} : vector<1024x128xf32>, vector<128x128xf32>, vector<1024x128xf32> -> vector<1024x128xf32>
    %get3A_6 = arith.constant 0 : index
    %get3A_7 = arith.constant 0 : index
    %get3A_8 = vector.load %arg3[%get3A_6, %get3A_7] : memref<2x1024xf32, #tpu.memory_space<vmem>>, vector<1x1024xf32>
    %get3A_9 = vector.shape_cast %get3A_8 : vector<1x1024xf32> to vector<1024xf32>
    %get3A_10 = arith.constant 1 : index
    %get3A_11 = arith.constant 0 : index
    %get3A_12 = vector.load %arg3[%get3A_10, %get3A_11] : memref<2x1024xf32, #tpu.memory_space<vmem>>, vector<1x1024xf32>
    %get3A_13 = vector.shape_cast %get3A_12 : vector<1x1024xf32> to vector<1024xf32>
    %add3A = arith.addf %get3A_9, %get3A_13 : vector<1024xf32>
    %add3A_14 = arith.constant 1.000000e+00 : f32
    %add3A_15 = vector.broadcast %add3A_14 : f32 to vector<1024xf32>
    %add3A_16 = arith.addf %add3A, %add3A_15 : vector<1024xf32>
    %rsqrt3A = math.rsqrt %add3A_16 : vector<1024xf32>
    %broadcast_in_dim3A = vector.shape_cast %rsqrt3A : vector<1024xf32> to vector<1024x1xf32>
    %mul3A = vector.broadcast %broadcast_in_dim3A : vector<1024x1xf32> to vector<1024x128xf32>
    %mul3A_17 = arith.mulf %dot_general3A_5, %mul3A : vector<1024x128xf32>
    %swap3A = arith.constant 0 : index
    %swap3A_18 = arith.constant 0 : index
    %swap3A_19 = vector.load %arg4[%swap3A, %swap3A_18] : memref<1024x128xf32, #tpu.memory_space<vmem>>, vector<1024x128xf32>
    tpu.vector_store %arg4[%swap3A, %swap3A_18], %mul3A_17 {strides = array<i32>} : memref<1024x128xf32, #tpu.memory_space<vmem>>, vector<1024x128xf32>,
    return
  }
  func.func @transform_0(%arg0: i32) -> (i32, i32) {
    %c0_i32 = arith.constant 0 : i32
    %c0_i32_0 = arith.constant 0 : i32
    return %arg0, %c0_i32 : i32, i32
  }
  func.func @transform_1(%arg0: i32) -> (i32, i32) {
    %c0_i32 = arith.constant 0 : i32
    %c0_i32_0 = arith.constant 0 : i32
    %c0_i32_1 = arith.constant 0 : i32
    return %c0_i32, %c0_i32_0 : i32, i32
  }
  func.func @transform_2(%arg0: i32) -> (i32, i32) {
    %c0_i32 = arith.constant 0 : i32
    %c0_i32_0 = arith.constant 0 : i32
    return %c0_i32, %arg0 : i32, i32
  }
  func.func @transform_3(%arg0: i32) -> (i32, i32) {
    %c0_i32 = arith.constant 0 : i32
    %c0_i32_0 = arith.constant 0 : i32
    return %arg0, %c0_i32 : i32, i32
  }
}

module attributes {stable_mosaic.version = 14 : i64} {
  func.func @_k2_body(%arg0: i32, %arg1: memref<2x1024x128xf32, #tpu.memory_space<vmem>>, %arg2: memref<1024x128xf32, #tpu.memory_space<vmem>>, %arg3: memref<128x64xf32, #tpu.memory_space<vmem>>, %arg4: memref<2x1024xf32, #tpu.memory_space<vmem>>, %arg5: memref<1x128xf32, #tpu.memory_space<vmem>>, %arg6: memref<1024x64xf32, #tpu.memory_space<vmem>>) attributes {dimension_semantics = [#tpu.dimension_semantics<arbitrary>], iteration_bounds = array<i64: 10>, scalar_prefetch = 0 : i64, scratch_operands = 0 : i64, tpu.core_type = #tpu.core_type<tc>, window_params = [{transform_indices = @transform_0, window_bounds = array<i64: 2, 1024, 128>}, {transform_indices = @transform_1, window_bounds = array<i64: 1024, 128>}, {pipeline_mode = #tpu.pipeline_mode<synchronous>, transform_indices = @transform_2, window_bounds = array<i64: 128, 64>}, {transform_indices = @transform_3, window_bounds = array<i64: 2, 1024>}, {pipeline_mode = #tpu.pipeline_mode<synchronous>, transform_indices = @transform_4, window_bounds = array<i64: 1, 128>}, {transform_indices = @transform_5, window_bounds = array<i64: 1024, 64>}]} {
    %get3A = arith.constant 0 : index
    %get3A_0 = arith.constant 0 : index
    %get3A_1 = vector.load %arg4[%get3A, %get3A_0] : memref<2x1024xf32, #tpu.memory_space<vmem>>, vector<1x1024xf32>
    %get3A_2 = vector.shape_cast %get3A_1 : vector<1x1024xf32> to vector<1024xf32>
    %get3A_3 = arith.constant 1 : index
    %get3A_4 = arith.constant 0 : index
    %get3A_5 = vector.load %arg4[%get3A_3, %get3A_4] : memref<2x1024xf32, #tpu.memory_space<vmem>>, vector<1x1024xf32>
    %get3A_6 = vector.shape_cast %get3A_5 : vector<1x1024xf32> to vector<1024xf32>
    %add3A = arith.addf %get3A_2, %get3A_6 : vector<1024xf32>
    %add3A_7 = arith.constant 1.000000e+00 : f32
    %add3A_8 = vector.broadcast %add3A_7 : f32 to vector<1024xf32>
    %add3A_9 = arith.addf %add3A, %add3A_8 : vector<1024xf32>
    %rsqrt3A = math.rsqrt %add3A_9 : vector<1024xf32>
    %broadcast_in_dim3A = vector.shape_cast %rsqrt3A : vector<1024xf32> to vector<1024x1xf32>
    %get3A_10 = arith.constant 0 : index
    %get3A_11 = arith.constant 0 : index
    %get3A_12 = arith.constant 0 : index
    %get3A_13 = vector.load %arg1[%get3A_10, %get3A_11, %get3A_12] : memref<2x1024x128xf32, #tpu.memory_space<vmem>>, vector<1x1024x128xf32>
    %get3A_14 = vector.shape_cast %get3A_13 : vector<1x1024x128xf32> to vector<1024x128xf32>
    %get3A_15 = arith.constant 1 : index
    %get3A_16 = arith.constant 0 : index
    %get3A_17 = arith.constant 0 : index
    %get3A_18 = vector.load %arg1[%get3A_15, %get3A_16, %get3A_17] : memref<2x1024x128xf32, #tpu.memory_space<vmem>>, vector<1x1024x128xf32>
    %get3A_19 = vector.shape_cast %get3A_18 : vector<1x1024x128xf32> to vector<1024x128xf32>
    %add3A_20 = arith.addf %get3A_14, %get3A_19 : vector<1024x128xf32>
    %get3A_21 = arith.constant 0 : index
    %get3A_22 = arith.constant 0 : index
    %get3A_23 = vector.load %arg2[%get3A_21, %get3A_22] : memref<1024x128xf32, #tpu.memory_space<vmem>>, vector<1024x128xf32>
    %add3A_24 = arith.addf %add3A_20, %get3A_23 : vector<1024x128xf32>
    %mul3A = vector.broadcast %broadcast_in_dim3A : vector<1024x1xf32> to vector<1024x128xf32>
    %mul3A_25 = arith.mulf %add3A_24, %mul3A : vector<1024x128xf32>
    %get3A_26 = arith.constant 0 : index
    %get3A_27 = arith.constant 0 : index
    %get3A_28 = vector.load %arg5[%get3A_26, %get3A_27] : memref<1x128xf32, #tpu.memory_space<vmem>>, vector<1x128xf32>
    %add3A_29 = vector.broadcast %get3A_28 : vector<1x128xf32> to vector<1024x128xf32>
    %add3A_30 = arith.addf %mul3A_25, %add3A_29 : vector<1024x128xf32>
    %max3A = arith.constant 0.000000e+00 : f32
    %max3A_31 = vector.broadcast %max3A : f32 to vector<1024x128xf32>
    %max3A_32 = arith.maximumf %add3A_30, %max3A_31 : vector<1024x128xf32>
    %get3A_33 = arith.constant 0 : index
    %get3A_34 = arith.constant 0 : index
    %get3A_35 = vector.load %arg3[%get3A_33, %get3A_34] : memref<128x64xf32, #tpu.memory_space<vmem>>, vector<128x64xf32>
    %dot_general3A = arith.constant dense<0.000000e+00> : vector<1024x64xf32>
    %dot_general3A_36 = tpu.matmul %max3A_32, %get3A_35, %dot_general3A {dimension_numbers = #tpu.dot_dimension_numbers<[1], [0], [0], [1], [0, 0, 1, 1], [], []>, transpose_lhs_hint = false} : vector<1024x128xf32>, vector<128x64xf32>, vector<1024x64xf32> -> vector<1024x64xf32>
    %mul3A_37 = vector.broadcast %broadcast_in_dim3A : vector<1024x1xf32> to vector<1024x64xf32>
    %mul3A_38 = arith.mulf %dot_general3A_36, %mul3A_37 : vector<1024x64xf32>
    %swap3A = arith.constant 0 : index
    %swap3A_39 = arith.constant 0 : index
    %swap3A_40 = vector.load %arg6[%swap3A, %swap3A_39] : memref<1024x64xf32, #tpu.memory_space<vmem>>, vector<1024x64xf32>
    tpu.vector_store %arg6[%swap3A, %swap3A_39], %mul3A_38 {strides = array<i32>} : memref<1024x64xf32, #tpu.memory_space<vmem>>, vector<1024x64xf32>,
    return
  }
  func.func @transform_0(%arg0: i32) -> (i32, i32, i32) {
    %c0_i32 = arith.constant 0 : i32
    %c0_i32_0 = arith.constant 0 : i32
    %c0_i32_1 = arith.constant 0 : i32
    return %c0_i32, %arg0, %c0_i32_0 : i32, i32, i32
  }
  func.func @transform_1(%arg0: i32) -> (i32, i32) {
    %c0_i32 = arith.constant 0 : i32
    %c0_i32_0 = arith.constant 0 : i32
    return %arg0, %c0_i32 : i32, i32
  }
  func.func @transform_2(%arg0: i32) -> (i32, i32) {
    %c0_i32 = arith.constant 0 : i32
    %c0_i32_0 = arith.constant 0 : i32
    %c0_i32_1 = arith.constant 0 : i32
    return %c0_i32, %c0_i32_0 : i32, i32
  }
  func.func @transform_3(%arg0: i32) -> (i32, i32) {
    %c0_i32 = arith.constant 0 : i32
    %c0_i32_0 = arith.constant 0 : i32
    return %c0_i32, %arg0 : i32, i32
  }
  func.func @transform_4(%arg0: i32) -> (i32, i32) {
    %c0_i32 = arith.constant 0 : i32
    %c0_i32_0 = arith.constant 0 : i32
    %c0_i32_1 = arith.constant 0 : i32
    return %c0_i32, %c0_i32_0 : i32, i32
  }
  func.func @transform_5(%arg0: i32) -> (i32, i32) {
    %c0_i32 = arith.constant 0 : i32
    %c0_i32_0 = arith.constant 0 : i32
    return %arg0, %c0_i32 : i32, i32
  }
}

module attributes {stable_mosaic.version = 14 : i64} {
  func.func @_k3_body(%arg0: i32, %arg1: memref<2x1024x64xf32, #tpu.memory_space<vmem>>, %arg2: memref<1024x64xf32, #tpu.memory_space<vmem>>, %arg3: memref<2x1024xf32, #tpu.memory_space<vmem>>, %arg4: memref<1x64xf32, #tpu.memory_space<vmem>>, %arg5: memref<1024x64xf32, #tpu.memory_space<vmem>>) attributes {dimension_semantics = [#tpu.dimension_semantics<arbitrary>], iteration_bounds = array<i64: 10>, scalar_prefetch = 0 : i64, scratch_operands = 0 : i64, tpu.core_type = #tpu.core_type<tc>, window_params = [{transform_indices = @transform_0, window_bounds = array<i64: 2, 1024, 64>}, {transform_indices = @transform_1, window_bounds = array<i64: 1024, 64>}, {transform_indices = @transform_2, window_bounds = array<i64: 2, 1024>}, {pipeline_mode = #tpu.pipeline_mode<synchronous>, transform_indices = @transform_3, window_bounds = array<i64: 1, 64>}, {transform_indices = @transform_4, window_bounds = array<i64: 1024, 64>}]} {
    %get3A = arith.constant 0 : index
    %get3A_0 = arith.constant 0 : index
    %get3A_1 = vector.load %arg3[%get3A, %get3A_0] : memref<2x1024xf32, #tpu.memory_space<vmem>>, vector<1x1024xf32>
    %get3A_2 = vector.shape_cast %get3A_1 : vector<1x1024xf32> to vector<1024xf32>
    %get3A_3 = arith.constant 1 : index
    %get3A_4 = arith.constant 0 : index
    %get3A_5 = vector.load %arg3[%get3A_3, %get3A_4] : memref<2x1024xf32, #tpu.memory_space<vmem>>, vector<1x1024xf32>
    %get3A_6 = vector.shape_cast %get3A_5 : vector<1x1024xf32> to vector<1024xf32>
    %add3A = arith.addf %get3A_2, %get3A_6 : vector<1024xf32>
    %add3A_7 = arith.constant 1.000000e+00 : f32
    %add3A_8 = vector.broadcast %add3A_7 : f32 to vector<1024xf32>
    %add3A_9 = arith.addf %add3A, %add3A_8 : vector<1024xf32>
    %rsqrt3A = math.rsqrt %add3A_9 : vector<1024xf32>
    %broadcast_in_dim3A = vector.shape_cast %rsqrt3A : vector<1024xf32> to vector<1024x1xf32>
    %get3A_10 = arith.constant 0 : index
    %get3A_11 = arith.constant 0 : index
    %get3A_12 = arith.constant 0 : index
    %get3A_13 = vector.load %arg1[%get3A_10, %get3A_11, %get3A_12] : memref<2x1024x64xf32, #tpu.memory_space<vmem>>, vector<1x1024x64xf32>
    %get3A_14 = vector.shape_cast %get3A_13 : vector<1x1024x64xf32> to vector<1024x64xf32>
    %get3A_15 = arith.constant 1 : index
    %get3A_16 = arith.constant 0 : index
    %get3A_17 = arith.constant 0 : index
    %get3A_18 = vector.load %arg1[%get3A_15, %get3A_16, %get3A_17] : memref<2x1024x64xf32, #tpu.memory_space<vmem>>, vector<1x1024x64xf32>
    %get3A_19 = vector.shape_cast %get3A_18 : vector<1x1024x64xf32> to vector<1024x64xf32>
    %add3A_20 = arith.addf %get3A_14, %get3A_19 : vector<1024x64xf32>
    %get3A_21 = arith.constant 0 : index
    %get3A_22 = arith.constant 0 : index
    %get3A_23 = vector.load %arg2[%get3A_21, %get3A_22] : memref<1024x64xf32, #tpu.memory_space<vmem>>, vector<1024x64xf32>
    %add3A_24 = arith.addf %add3A_20, %get3A_23 : vector<1024x64xf32>
    %mul3A = vector.broadcast %broadcast_in_dim3A : vector<1024x1xf32> to vector<1024x64xf32>
    %mul3A_25 = arith.mulf %add3A_24, %mul3A : vector<1024x64xf32>
    %get3A_26 = arith.constant 0 : index
    %get3A_27 = arith.constant 0 : index
    %get3A_28 = vector.load %arg4[%get3A_26, %get3A_27] : memref<1x64xf32, #tpu.memory_space<vmem>>, vector<1x64xf32>
    %add3A_29 = vector.broadcast %get3A_28 : vector<1x64xf32> to vector<1024x64xf32>
    %add3A_30 = arith.addf %mul3A_25, %add3A_29 : vector<1024x64xf32>
    %swap3A = arith.constant 0 : index
    %swap3A_31 = arith.constant 0 : index
    %swap3A_32 = vector.load %arg5[%swap3A, %swap3A_31] : memref<1024x64xf32, #tpu.memory_space<vmem>>, vector<1024x64xf32>
    tpu.vector_store %arg5[%swap3A, %swap3A_31], %add3A_30 {strides = array<i32>} : memref<1024x64xf32, #tpu.memory_space<vmem>>, vector<1024x64xf32>,
    return
  }
  func.func @transform_0(%arg0: i32) -> (i32, i32, i32) {
    %c0_i32 = arith.constant 0 : i32
    %c0_i32_0 = arith.constant 0 : i32
    %c0_i32_1 = arith.constant 0 : i32
    return %c0_i32, %arg0, %c0_i32_0 : i32, i32, i32
  }
  func.func @transform_1(%arg0: i32) -> (i32, i32) {
    %c0_i32 = arith.constant 0 : i32
    %c0_i32_0 = arith.constant 0 : i32
    return %arg0, %c0_i32 : i32, i32
  }
  func.func @transform_2(%arg0: i32) -> (i32, i32) {
    %c0_i32 = arith.constant 0 : i32
    %c0_i32_0 = arith.constant 0 : i32
    return %c0_i32, %arg0 : i32, i32
  }
  func.func @transform_3(%arg0: i32) -> (i32, i32) {
    %c0_i32 = arith.constant 0 : i32
    %c0_i32_0 = arith.constant 0 : i32
    %c0_i32_1 = arith.constant 0 : i32
    return %c0_i32, %c0_i32_0 : i32, i32
  }
  func.func @transform_4(%arg0: i32) -> (i32, i32) {
    %c0_i32 = arith.constant 0 : i32
    %c0_i32_0 = arith.constant 0 : i32
    return %arg0, %c0_i32 : i32, i32
  }
}

</mosaic_0001>

<sc_bundles>
// kernel: kernel.11.cloned.1.call-start
scs
__scs_entry_jumppad:
0x0: {  	(pc) =	sbr.rel $0x88, $3  }
0x1: {  	(tag) =	ssettag $0x0;
	lr =	simm.s32 $0x1  }
0x2: {  	[smem:$0x3F9B] =	sst lr;
	_ =	strace $0xD0000000  }
0x3: {  	_ = 	snop  }
0x4: {  	_ = 	snop  }
0x5: {  	_ = 	snop  }
0x6: {  	_ = 	snop  }
0x7: {  	_ = 	snop  }
__scs_overlays_trampoline_lowered:
0x8: {  	[smem:$0x3FAA] =	sst s0  }
0x9: {  	[smem:$0x3FAB] =	sst s1  }
0xa: {  	[smem:$0x3FAC] =	sst s2  }
0xb: {  	[smem:$0x3FAD] =	sst s3  }
0xc: {  	[smem:$0x3FAE] =	sst s4  }
0xd: {  	[smem:$0x3FAF] =	sst s5  }
0xe: {  	[smem:$0x3FB0] =	sst s6  }
0xf: {  	[smem:$0x3FB1] =	sst s7  }
0x10: {  	[smem:$0x3FB2] =	sst s8  }
0x11: {  	[smem:$0x3FB3] =	sst s9;
	s0 =	simm.s32 @!p0 $0x0  }
0x12: {  	s1 =	sld [smem:$0x3F99];
	s0 =	simm.s32 @p0 $0x1  }
0x13: {  	[smem:$0x3FB4] =	sst s0;
	s0 =	simm.s32 @!p1 $0x0  }
0x14: {  	s2 =	sld [smem:$0x3F98];
	s0 =	simm.s32 @p1 $0x1  }
0x15: {  	[smem:$0x3FB5] =	sst s0;
	s0 =	simm.s32 @!p2 $0x0  }
0x16: {  	s3 =	sld [smem:$0x3FDB];
	s0 =	simm.s32 @p2 $0x1  }
0x17: {  	s4 =	simm.s32 $0x1BF5;
	[smem:$0x3FB7] =	sst s0  }
0x18: {  	s0 =	sld [smem:$0x3F9A];
	_ =	swait.ge [sflag:s4], $0x0  }
0x19: {  	s7 =	sld [smem:$0x3F9B]  }
0x1a: {  	s8 =	sadd.s32 $0xFFFFE003, lr  }
0x1b: {  	s9 =	sadd.s32 $0xFFFFFEF7, lr;
	s5 =	simm.s32 $0xFFFFFFFF;
	p2 =	slt.u32 s8, $0xFFFFF086  }
0x1c: {  	p1 =	slt.u32 s9, $0xF7A;
	s5 =	simm.s32 @!p2 $0x0  }
0x1d: {  	s5 =	simm.s32 @p1 $0x1;
	p0 =	seq.s32 s7, s2  }
0x1e: {  	s7 =	smul.u32 @!p0 $0xF7A, s2;
	p2 =	seq.s32 @!p0 s5, $0x0  }
0x1f: {  	s9 =	smul.u32 $0xF7A, s1;
	s8 =	simm.s32 @!p0 $0x1BF5;
	p2 =	por !p2, p0  }
0x20: {  	[sflag:s8] =	ssyncset.s32 @!p0 $0xFFFFF086;
	s6 =	sadd.s32 @!p0 s3, s7;
	s7 =	simm.s32 @!p0 $0x108  }
0x21: {  	s3 =	sadd.s32 s3, s9;
	s6 =	sadd.s32 @!p0 $0x88, s6;
	s7 =	simm.s32 @p2 $0x1082  }
0x22: {  	[simem:s7], [sflag:s8] =	dma.local @!p0 [hbm:s6], $0xF7A  }
0x23: {  	s9 =	sor.u32 $0xD0000000, s2;
	s6 =	simm.s32 $0x108;
	_ =	swait.ge @!p0 [sflag:s8], $0x0  }
0x24: {  	s3 =	sadd.s32 $0x88, s3;
	s6 =	simm.s32 @!p1 $0x1082;
	[sflag:s4] =	ssyncset.s32 $0xFFFFF086  }
0x25: {  	[simem:s6], [sflag:s4] =	dma.local [hbm:s3], $0xF7A  }
0x26: {  	[smem:$0x3F9B] =	sst s1;
	(tag) =	ssettag s2;
	_ =	strace s9  }
0x27: {  	s1 =	sld [smem:$0x3FAB]  }
0x28: {  	s2 =	sld [smem:$0x3FAC]  }
0x29: {  	s4 =	sld [smem:$0x3FAE]  }
0x2a: {  	p0 =	seq.s32 s5, $0x0;
	s5 =	sld [smem:$0x3FAF]  }
0x2b: {  	s6 =	sld [smem:$0x3FB0]  }
0x2c: {  	s7 =	sld [smem:$0x3FB1]  }
0x2d: {  	s3 =	simm.s32 $0x108;
	s8 =	sld [smem:$0x3FB2]  }
0x2e: {  	s3 =	simm.s32 @!p0 $0x1082;
	s9 =	sld [smem:$0x3FB3]  }
0x2f: {  	lr =	sadd.s32 s0, s3;
	s0 =	sld [smem:$0x3FAA]  }
0x30: {  	s3 =	sld [smem:$0x3FAD]  }
0x31: {  	[smem:$0x3FB6] =	sst s10  }
0x32: {  	s10 =	sld [smem:$0x3FB4];
	_ =	sdelay $0x3  }
0x33: {  	p0 =	seq.s32 s10, $0x1;
	s10 =	sld [smem:$0x3FB6];
	_ =	sdelay $0x3  }
0x34: {  	[smem:$0x3FB6] =	sst s10  }
0x35: {  	s10 =	sld [smem:$0x3FB5];
	_ =	sdelay $0x3  }
0x36: {  	p1 =	seq.s32 s10, $0x1;
	s10 =	sld [smem:$0x3FB6];
	_ =	sdelay $0x3  }
0x37: {  	[smem:$0x3FB6] =	sst s10  }
0x38: {  	s10 =	sld [smem:$0x3FB7]  }
0x39: {  	_ = 	snop;
	(pc) =	sbr.ind lr, $3  }
0x3a: {  	_ = 	snop  }
0x3b: {  	_ = 	snop  }
0x3c: {  	p2 =	seq.s32 s10, $0x1;
	s10 =	sld [smem:$0x3FB6]  }
0x3d: {  	_ =	shalt  }
0x3e: {  	_ =	shalt  }
0x3f: {  	_ =	shalt  }
0x40: {  	_ =	shalt  }
0x41: {  	_ =	shalt  }
0x42: {  	_ =	shalt  }
0x43: {  	_ =	shalt  }
0x44: {  	_ =	shalt  }
0x45: {  	_ =	shalt  }
0x46: {  	_ =	shalt  }
0x47: {  	_ =	shalt  }
0x48: {  	_ =	shalt  }
0x49: {  	_ =	shalt  }
0x4a: {  	_ =	shalt  }
0x4b: {  	_ =	shalt  }
0x4c: {  	_ =	shalt  }
0x4d: {  	_ =	shalt  }
0x4e: {  	_ =	shalt  }
0x4f: {  	_ =	shalt  }
0x50: {  	_ =	shalt  }
0x51: {  	_ =	shalt  }
0x52: {  	_ =	shalt  }
0x53: {  	_ =	shalt  }
0x54: {  	_ =	shalt  }
0x55: {  	_ =	shalt  }
0x56: {  	_ =	shalt  }
0x57: {  	_ =	shalt  }
0x58: {  	_ =	shalt  }
0x59: {  	_ =	shalt  }
0x5a: {  	_ =	shalt  }
0x5b: {  	_ =	shalt  }
0x5c: {  	_ =	shalt  }
0x5d: {  	_ =	shalt  }
0x5e: {  	_ =	shalt  }
0x5f: {  	_ =	shalt  }
0x60: {  	_ =	shalt  }
0x61: {  	_ =	shalt  }
0x62: {  	_ =	shalt  }
0x63: {  	_ =	shalt  }
0x64: {  	_ =	shalt  }
0x65: {  	_ =	shalt  }
0x66: {  	_ =	shalt  }
0x67: {  	_ =	shalt  }
0x68: {  	_ =	shalt  }
0x69: {  	_ =	shalt  }
0x6a: {  	_ =	shalt  }
0x6b: {  	_ =	shalt  }
0x6c: {  	_ =	shalt  }
0x6d: {  	_ =	shalt  }
0x6e: {  	_ =	shalt  }
0x6f: {  	_ =	shalt  }
0x70: {  	_ =	shalt  }
0x71: {  	_ =	shalt  }
0x72: {  	_ =	shalt  }
0x73: {  	_ =	shalt  }
0x74: {  	_ =	shalt  }
0x75: {  	_ =	shalt  }
0x76: {  	_ =	shalt  }
0x77: {  	_ =	shalt  }
0x78: {  	_ =	shalt  }
0x79: {  	_ =	shalt  }
0x7a: {  	_ =	shalt  }
0x7b: {  	_ =	shalt  }
0x7c: {  	_ =	shalt  }
0x7d: {  	_ =	shalt  }
0x7e: {  	_ =	shalt  }
0x7f: {  	_ =	shalt  }
0x80: {  	_ =	shalt  }
0x81: {  	_ =	shalt  }
0x82: {  	_ =	shalt  }
0x83: {  	_ =	shalt  }
0x84: {  	_ =	shalt  }
0x85: {  	_ =	shalt  }
0x86: {  	_ =	shalt  }
0x87: {  	_ =	shalt  }
.Lfunc_end0:
.L_simem_size_0:
called_computation.1_lowered:
.L_overlay_start_0:
0x88: {  	s2 =	sld [smem:$0x3FD9]  }
0x89: {  	s3 =	sld [smem:$0x3FFE];
	_ =	sdelay $0x1  }
0x8a: {  	s1 =	srdreg.scid  }
0x8b: {  	s0 =	sand.u32 $0x1, s1  }
0x8c: {  	s17 =	sshll.u32 s0, $0xA;
	s2 =	sadd.s32 s3, s2  }
0x8d: {  	s2 =	sadd.s32 s2, s17  }
0x8e: {  	[smem:$0x3FC2] =	sst s2  }
0x8f: {  	_ = 	snop  }
0x90: {  	s2 =	sld [smem:$0x3FD0];
	(tm) =	ssettm $0x1  }
0x91: {  	s18 =	sld [smem:$0x3FFB];
	_ =	sdelay $0x3  }
0x92: {  	_ =	strace s18  }
0x93: {  	s3 =	sld [smem:$0x3FFC];
	_ =	sdelay $0x3  }
0x94: {  	_ =	strace s3  }
0x95: {  	s3 =	sld [smem:$0x3FFD];
	_ =	sdelay $0x3  }
0x96: {  	_ =	strace s3  }
0x97: {  	_ =	strace $0x8FFFFFFF  }
0x98: {  	s19 =	sld [smem:$0x3FDB];
	_ =	sdelay $0x1  }
0x99: {  	s4 =	simm.s32 $_scs_section_size  }
0x9a: {  	s5 =	simm.s32 $_size__tile_overlayer_lowered;
	s6 =	simm.s32 $_tile_overlayer_lowered  }
0x9b: {  	s22 =	simm.s32 $0x1BFF;
	s21 =	sshll.u32 s6, $0x1;
	s3 =	sadd.s32 s4, s19  }
0x9c: {  	s7 =	simm.s32 $0x0;
	s20 =	sshll.u32 s5, $0x1;
	s5 =	sadd.s32 s21, s3  }
0x9d: {  	[timem:s7], [sflag:s22] =	dma.local [hbm:s5], s20  }
0x9e: {  	_ =	swait.ge [sflag:s22], s20  }
0x9f: {  	s4 =	ssub.s32 $0x0, s20;
	[sflag:s22] =	ssyncset.done $0x0  }
0xa0: {  	[sflag:s22] =	ssyncadd.s32 s4;
	_ =	sdelay $0x1  }
0xa1: {  	s23 =	simm.s32 $0x1B8B  }
0xa2: {  	_ =	swait.ge [sflag:s23], $0x1  }
0xa3: {  	[sflag:s23] =	ssyncset.done $0x0  }
0xa4: {  	s25 =	simm.s32 $0x1B8E;
	s24 =	sld [smem:$0x3FFE];
	[sflag:s23] =	ssyncadd.s32 $0xFFFFFFFF  }
0xa5: {  	s26 =	simm.s32 $execute0_lowered;
	[smem:$0x3FD2] =	sst s25  }
0xa6: {  	s5 =	sshll.u32 s26, $0x1;
	_ =	strace $0x80000049;
	[dreg:$0x1] =	wrdreg $0xFFFFFFFF  }
0xa7: {  	s28 =	simm.s32 $_size_execute0_lowered;
	s3 =	sadd.s32 s3, s5;
	[dreg:$0x0] =	wrdreg $0x0  }
0xa8: {  	s5 =	sshll.u32 s28, $0x1;
	[dreg:$0x2] =	wrdreg s3  }
0xa9: {  	[dreg:$0x3] =	wrdreg s5  }
0xaa: {  	[dreg:$0x4] =	wrdreg $0xC0  }
0xab: {  	_ =	task [dreg:s7], $0x5FFFF  }
0xac: {  	[dreg:$0x1] =	wrdreg $0xFFFFFFFF  }
0xad: {  	[dreg:$0x0] =	wrdreg $0x60  }
0xae: {  	[dreg:$0x2] =	wrdreg s24  }
0xaf: {  	[dreg:$0x3] =	wrdreg s2  }
0xb0: {  	[dreg:$0x4] =	wrdreg $0xA9000  }
0xb1: {  	[dreg:$0x5] =	wrdreg $0x9  }
0xb2: {  	_ =	task.clear_ibuf [dreg:s7], $0x6FFFF;
	_ =	strace $0x90000049  }
0xb3: {  	s29 =	simm.s32 $0x9;
	_ =	strace $0x8000004B  }
0xb4: {  	_ =	swait.ge [sflag:s29], $0x1  }
0xb5: {  	[sflag:s29] =	ssyncadd.s32 $0xFFFFFFFF  }
0xb6: {  	_ =	strace $0x9000004B  }
0xb7: {  	_ =	sfence  }
0xb8: {  	s30 =	sld [smem:$0x0];
	_ =	sdelay $0x2  }
0xb9: {  	s31 =	sshll.u32 s1, $0xD;
	s1 =	sshrl.u32 s1, $0x2  }
0xba: {  	s3 =	sand.u32 $0x4000, s31;
	s1 =	sadd.s32 s1, s30  }
0xbb: {  	s0 =	sor.u32 s3, s0;
	s1 =	sshll.u32 s1, $0x11  }
0xbc: {  	s0 =	sor.u32 s1, s0  }
0xbd: {  	s0 =	sadd.s32 $0x8F2B, s0  }
0xbe: {  	[sflag:s0] =	ssyncadd.remote.s32 $0x1  }
0xbf: {  	_ =	sfence.sel $0xFFFF  }
0xc0: {  	[dreg:$0x0] =	wrdreg $0xFFFFFFFF;
	(pc) =	sbr.abs _section_cstart, $3  }
0xc1: {  	[dreg:$0x1] =	wrdreg $0xFFFFFFFF  }
0xc2: {  	_ =	task.clear_ibuf [dreg:s7], $0x2FFFF;
	_ =	strace $0x9FFFFFFF  }
0xc3: {  	(tm) =	ssettm $0x7FFFFFFF  }
tec
execute0_lowered:
.L_overlay_start_1:
0x0: {  	(tag) =	ssettag $0x1  }
0x1: {  	s8 =	rddreg [dreg:$0x0]  }
0x2: {  	s2 =	rddreg [dreg:$0x1]  }
0x3: {  	s0 =	srdreg.scid;
	s4 =	rddreg [dreg:$0x2]  }
0x4: {  	s5 =	simm.s32 $0x0;
	s16 =	simm.s32 $0x2900;
	s17 =	simm.s32 $0x4  }
0x5: {  	s18 =	simm.s32 $0x2800;
	s19 =	simm.s32 $0x1;
	s20 =	simm.s32 $0x2  }
0x6: {  	s21 =	simm.s32 $0x80;
	s22 =	simm.s32 $0x3;
	s7 =	sand.u32 $0x1, s0  }
0x7: {  	s23 =	simm.s32 $0x0;
	s0 =	stileid.u32;
	s9 =	smul.u32 $0x140000, s7  }
0x8: {  	[smem:$0x7FF] =	sst s5;
	s6 =	sadd.s32 $0x20800, s8;
	s10 =	smul.u32 $0x14000, s0  }
0x9: {  	s1 =	sshll.u32 s7, $0x4;
	s11 =	smul.u32 $0x50000, s0;
	s29 =	ssub.s32 $0x2, s7  }
0xa: {  	_ =	strace $0x8000004A;
	s1 =	sor.u32 s0, s1;
	s31 =	sshrl.u32 s29, $0x1  }
0xb: {  	s3 =	smul.u32 $0x2800, s1;
	s9 =	sadd.s32 s10, s9;
	s30 =	sshrl.u32 s11, $0x2  }
.Ltmp0:
0xc: {  	s15 =	ssub.s32 s29, s31;
	s9 =	sshrl.u32 s9, $0x3;
	(pc) =	sbr.rel .LBB2_1-.Ltmp0, $4  }
0xd: {  	s7 =	sadd.s32 s30, s4;
	s15 =	smax.u32 s15, $0x1;
	s13 =	sshrl.u32 s3, $0x3  }
0xe: {  	s14 =	sadd.s32 s9, s8;
	s9 =	sadd.s32 $0x8000, s7;
	s10 =	sadd.s32 $0xC000, s7  }
0xf: {  	s11 =	sadd.s32 $0x10000, s7;
	s12 =	sadd.s32 s13, s8;
	s8 =	sadd.s32 $0x4000, s7  }
0x10: {  	v0 =	vimm.f32 $0.0e+00;
	s13 =	sadd.s32 s2, s13;
	s14 =	sadd.s32 $0x48800, s14;
	s12 =	sadd.s32 $0x16800, s12  }
.LBB2_6:
0x11: {  	[spmem:s4] =	stream.indirect.scatter.add.f32 [tilespmem:s28], [sflag:$0x3], $0x80, s29, s21, $0xb8;
	[tilespmem:$0x1E900] =	vst v63  }
0x12: {  	_ =	swait.ge [sflag:s22], $0x4000  }
0x13: {  	s1 =	sshll.u32 s0, $0x6;
	s23 =	sadd.s32 $0x1, s23;
	[sflag:s22] =	ssyncset.done $0x0  }
0x14: {  	s24 =	sshrl.u32 s7, $0x3;
	p0 =	sne.s32 s23, s15;
	[sflag:s22] =	ssyncadd.s32 $0xFFFFC000  }
.Ltmp1:
0x15: {  	s1 =	sor.u32 $0x1C04, s1;
	[bflag:$0x0] =	sbarrier.arrive $0xFFFF;
	(pc) =	sbr.rel @!p0 .LBB2_7-.Ltmp1, $4  }
0x16: {  	[hbm:s14], [sflag:s1] =	dma.local [spmem:s24], $0x2800  }
0x17: {  	_ =	swait.ge [sflag:s17], $0x2800  }
0x18: {  	[sflag:s17] =	ssyncset.done $0x0  }
0x19: {  	[sflag:s17] =	ssyncadd.s32 $0xFFFFD800  }
.LBB2_1:
0x1a: {  	s24 =	sand.u32 $0xFE00, s5  }
0x1b: {  	s25 =	sand.u32 $0x70, s5;
	s26 =	sshrl.u32 s24, $0x2  }
0x1c: {  	s24 =	simm.s32 $0x40;
	s26 =	sor.u32 s25, s26;
	s25 =	simm.s32 $0x0  }
.LBB2_2:
0x1d: {  	p0 =	sne.s32 s24, $0xFFC0  }
0x1e: {  	[tilespmem:s26+$0x2900] =	vst v0;
	s25 =	sadd.s32 $0x10, s25;
	s26 =	smov.u32 s24;
	s24 =	sadd.s32 $0x40, s24  }
.Ltmp2:
0x1f: {  	(pc) =	sbr.rel @p0 .LBB2_2-.Ltmp2, $4  }
0x20: {  	_ = 	snop  }
0x21: {  	s26 =	sand.u32 $0xFE00, s26  }
0x22: {  	s28 =	sand.u32 $0x70, s25;
	s26 =	sshrl.u32 s26, $0x2  }
0x23: {  	s26 =	sor.u32 s28, s26  }
0x24: {  	[tilespmem:s26+$0x2900] =	vst v0  }
0x25: {  	[spmem:s7] =	stream.linear.scatter [tilespmem:s16], [sflag:$0x4], $0x4000, $0x38;
	[tilespmem:$0x1E900] =	vst v63  }
0x26: {  	_ =	swait.ge [sflag:s17], $0x4000  }
0x27: {  	[sflag:s17] =	ssyncset.done $0x0  }
0x28: {  	[sflag:s17] =	ssyncadd.s32 $0xFFFFC000  }
0x29: {  	[spmem:s8] =	stream.linear.scatter [tilespmem:s16], [sflag:$0x4], $0x4000, $0x38;
	[tilespmem:$0x1E900] =	vst v63  }
0x2a: {  	_ =	swait.ge [sflag:s17], $0x4000  }
0x2b: {  	[sflag:s17] =	ssyncset.done $0x0  }
0x2c: {  	[sflag:s17] =	ssyncadd.s32 $0xFFFFC000  }
0x2d: {  	[spmem:s9] =	stream.linear.scatter [tilespmem:s16], [sflag:$0x4], $0x4000, $0x38;
	[tilespmem:$0x1E900] =	vst v63  }
0x2e: {  	_ =	swait.ge [sflag:s17], $0x4000  }
0x2f: {  	[sflag:s17] =	ssyncset.done $0x0  }
0x30: {  	[sflag:s17] =	ssyncadd.s32 $0xFFFFC000  }
0x31: {  	[spmem:s10] =	stream.linear.scatter [tilespmem:s16], [sflag:$0x4], $0x4000, $0x38;
	[tilespmem:$0x1E900] =	vst v63  }
0x32: {  	_ =	swait.ge [sflag:s17], $0x4000  }
0x33: {  	[sflag:s17] =	ssyncset.done $0x0  }
0x34: {  	[sflag:s17] =	ssyncadd.s32 $0xFFFFC000  }
0x35: {  	[spmem:s11] =	stream.linear.scatter [tilespmem:s16], [sflag:$0x4], $0x4000, $0x38;
	[tilespmem:$0x1E900] =	vst v63  }
0x36: {  	_ =	swait.ge [sflag:s17], $0x4000  }
0x37: {  	[sflag:s17] =	ssyncset.done $0x0  }
0x38: {  	[sflag:s17] =	ssyncadd.s32 $0xFFFFC000  }
0x39: {  	s24 =	simm.s32 $0x0;
	[bflag:$0x0] =	sbarrier.arrive $0xFFFF  }
0x3a: {  	[tilespmem:s24], [sflag:$0x4] =	stream.linear.gather [hbm4b:s12+s24], $0x2780, $0x38;
	[tilespmem:$0x1E900] =	vst v63  }
0x3b: {  	_ =	swait.ge [sflag:s17], $0x2780  }
0x3c: {  	[sflag:s17] =	ssyncset.done $0x0  }
0x3d: {  	s25 =	simm.s32 $0x80;
	[sflag:s17] =	ssyncadd.s32 $0xFFFFD880  }
0x3e: {  	[tilespmem:s16], [sflag:$0x1] =	stream.indirect.gather [hbm4b:s6+s25], $0x80, s24, s25, $0xb8;
	[tilespmem:$0x1E900] =	vst v63  }
0x3f: {  	s26 =	simm.s32 $0x80  }
0x40: {  	[tilespmem:s18], [sflag:$0x2] =	stream.linear.gather [hbm4b:s13+s24], $0x80, $0x38;
	[tilespmem:$0x1E900] =	vst v63  }
.LBB2_4:
0x41: {  	_ =	swait.ge [sflag:s19], $0x4000  }
0x42: {  	p0 =	seq.s32 s24, $0x0;
	[sflag:s19] =	ssyncset.done $0x0  }
0x43: {  	p1 =	seq.s32 @!p0 s24, $0x4E;
	[sflag:s19] =	ssyncadd.s32 $0xFFFFC000  }
0x44: {  	p1 =	por p0, !p1;
	_ =	swait.ge [sflag:s20], $0x80  }
.Ltmp3:
0x45: {  	[sflag:s20] =	ssyncset.done $0x0;
	(pc) =	sbr.rel @!p1 .LBB2_6-.Ltmp3, $4  }
0x46: {  	s31 =	simm.s32 @!p0 $0x3;
	[sflag:s20] =	ssyncadd.s32 $0xFFFFFF80  }
0x47: {  	s30 =	sand.u32 $0x1, s24;
	_ =	swait.ge @!p0 [sflag:s31], $0x4000  }
0x48: {  	s28 =	sshll.u32 s30, $0xE;
	s29 =	sshll.u32 s30, $0x7;
	[sflag:s31] =	ssyncset.done @!p0 $0x0  }
0x49: {  	s28 =	sor.u32 $0x2900, s28;
	s29 =	sor.u32 $0x2800, s29;
	[sflag:s31] =	ssyncadd.s32 @!p0 $0xFFFFC000  }
0x4a: {  	s30 =	sxor.u32 $0x1, s30  }
0x4b: {  	s31 =	sshll.u32 s30, $0xE  }
0x4c: {  	s1 =	sand.u32 $0x7C00, s25;
	s31 =	sor.u32 $0x2900, s31  }
0x4d: {  	[tilespmem:s31], [sflag:$0x1] =	stream.indirect.gather [hbm4b:s6+s21], $0x80, s26, s21, $0xb8;
	[tilespmem:$0x1E900] =	vst v63  }
0x4e: {  	s31 =	sadd.s32 s3, s1;
	s1 =	sand.u32 $0x380, s25  }
0x4f: {  	s1 =	sor.u32 s1, s31  }
.Ltmp4:
0x50: {  	s30 =	sshll.u32 s30, $0x7;
	s1 =	sshrl.u32 s1, $0x3;
	(pc) =	sbr.rel .LBB2_4-.Ltmp4, $4  }
0x51: {  	s30 =	sor.u32 $0x2800, s30;
	s1 =	sadd.s32 s2, s1  }
0x52: {  	[tilespmem:s30], [sflag:$0x2] =	stream.linear.gather [hbm4b:s1+s5], $0x80, $0x38;
	[tilespmem:$0x1E900] =	vst v63  }
0x53: {  	s24 =	sadd.s32 $0x1, s24;
	s26 =	sadd.s32 $0x80, s26;
	s25 =	sadd.s32 $0x80, s25  }
0x54: {  	[spmem:s4] =	stream.indirect.scatter.add.f32 [tilespmem:s28], [sflag:$0x3], $0x80, s29, s21, $0xb8;
	[tilespmem:$0x1E900] =	vst v63  }
.LBB2_7:
0x55: {  	_ =	sfence.sel $0x180000  }
0x56: {  	[bflag:$0x0] =	sbarrier.arrive $0xFFFF  }
0x57: {  	_ =	strace $0x9000004A  }
0x58: {  	[bflag:$0x2] =	sbarrier.arrive $0xFFFF  }
0x59: {  	p0 =	sne.s32 s0, $0x0;
	s0 =	rddreg [dreg:$0x3]  }
0x5a: {  	s0 =	sadd.s32 @!p0 $0x100000, s0  }
0x5b: {  	[sflag:s0] =	ssyncadd.tile.s32 @!p0 $0x1;
	_ =	shalt  }
.Lfunc_end2:
_tile_overlayer_lowered:
.L_overlay_start_2:
0x5c: {  	(tag) =	ssettag $0x2  }
0x5d: {  	s0 =	rddreg [dreg:$0x0];
	s2 =	stileid.u32  }
0x5e: {  	s1 =	rddreg [dreg:$0x1];
	p0 =	sne.s32 s2, $0x0  }
0x5f: {  	s3 =	rddreg [dreg:$0x2];
	[bflag:$0x3] =	sbarrier.arrive $0xFFFF;
	s2 =	simm.s32 @!p0 $0x1C04  }
0x60: {  	[timem:s3], [sflag:s2] =	dma.local @!p0 [hbm:s0], s1  }
0x61: {  	s0 =	simm.s32 @!p0 $0x4  }
0x62: {  	_ =	swait.ge @!p0 [sflag:s0], s1  }
0x63: {  	s1 =	ssub.s32 @!p0 $0x0, s1;
	[sflag:s0] =	ssyncset.done @!p0 $0x0  }
0x64: {  	[sflag:s0] =	ssyncadd.s32 @!p0 s1  }
0x65: {  	[bflag:$0x3] =	sbarrier.arrive $0xFFFF  }
0x66: {  	_ =	shalt  }

// kernel: kernel.14.cloned.1.call-start
scs
__scs_entry_jumppad:
0x0: {  	(pc) =	sbr.rel $0x88, $3  }
0x1: {  	(tag) =	ssettag $0x0;
	lr =	simm.s32 $0x1  }
0x2: {  	[smem:$0x3F9B] =	sst lr;
	_ =	strace $0xD0000000  }
0x3: {  	_ = 	snop  }
0x4: {  	_ = 	snop  }
0x5: {  	_ = 	snop  }
0x6: {  	_ = 	snop  }
0x7: {  	_ = 	snop  }
__scs_overlays_trampoline_lowered:
0x8: {  	[smem:$0x3FAA] =	sst s0  }
0x9: {  	[smem:$0x3FAB] =	sst s1  }
0xa: {  	[smem:$0x3FAC] =	sst s2  }
0xb: {  	[smem:$0x3FAD] =	sst s3  }
0xc: {  	[smem:$0x3FAE] =	sst s4  }
0xd: {  	[smem:$0x3FAF] =	sst s5  }
0xe: {  	[smem:$0x3FB0] =	sst s6  }
0xf: {  	[smem:$0x3FB1] =	sst s7  }
0x10: {  	[smem:$0x3FB2] =	sst s8  }
0x11: {  	[smem:$0x3FB3] =	sst s9;
	s0 =	simm.s32 @!p0 $0x0  }
0x12: {  	s1 =	sld [smem:$0x3F99];
	s0 =	simm.s32 @p0 $0x1  }
0x13: {  	[smem:$0x3FB4] =	sst s0;
	s0 =	simm.s32 @!p1 $0x0  }
0x14: {  	s2 =	sld [smem:$0x3F98];
	s0 =	simm.s32 @p1 $0x1  }
0x15: {  	[smem:$0x3FB5] =	sst s0;
	s0 =	simm.s32 @!p2 $0x0  }
0x16: {  	s3 =	sld [smem:$0x3FDB];
	s0 =	simm.s32 @p2 $0x1  }
0x17: {  	s4 =	simm.s32 $0x1BF5;
	[smem:$0x3FB7] =	sst s0  }
0x18: {  	s0 =	sld [smem:$0x3F9A];
	_ =	swait.ge [sflag:s4], $0x0  }
0x19: {  	s7 =	sld [smem:$0x3F9B]  }
0x1a: {  	s8 =	sadd.s32 $0xFFFFE003, lr  }
0x1b: {  	s9 =	sadd.s32 $0xFFFFFEF7, lr;
	s5 =	simm.s32 $0xFFFFFFFF;
	p2 =	slt.u32 s8, $0xFFFFF086  }
0x1c: {  	p1 =	slt.u32 s9, $0xF7A;
	s5 =	simm.s32 @!p2 $0x0  }
0x1d: {  	s5 =	simm.s32 @p1 $0x1;
	p0 =	seq.s32 s7, s2  }
0x1e: {  	s7 =	smul.u32 @!p0 $0xF7A, s2;
	p2 =	seq.s32 @!p0 s5, $0x0  }
0x1f: {  	s9 =	smul.u32 $0xF7A, s1;
	s8 =	simm.s32 @!p0 $0x1BF5;
	p2 =	por !p2, p0  }
0x20: {  	[sflag:s8] =	ssyncset.s32 @!p0 $0xFFFFF086;
	s6 =	sadd.s32 @!p0 s3, s7;
	s7 =	simm.s32 @!p0 $0x108  }
0x21: {  	s3 =	sadd.s32 s3, s9;
	s6 =	sadd.s32 @!p0 $0x88, s6;
	s7 =	simm.s32 @p2 $0x1082  }
0x22: {  	[simem:s7], [sflag:s8] =	dma.local @!p0 [hbm:s6], $0xF7A  }
0x23: {  	s9 =	sor.u32 $0xD0000000, s2;
	s6 =	simm.s32 $0x108;
	_ =	swait.ge @!p0 [sflag:s8], $0x0  }
0x24: {  	s3 =	sadd.s32 $0x88, s3;
	s6 =	simm.s32 @!p1 $0x1082;
	[sflag:s4] =	ssyncset.s32 $0xFFFFF086  }
0x25: {  	[simem:s6], [sflag:s4] =	dma.local [hbm:s3], $0xF7A  }
0x26: {  	[smem:$0x3F9B] =	sst s1;
	(tag) =	ssettag s2;
	_ =	strace s9  }
0x27: {  	s1 =	sld [smem:$0x3FAB]  }
0x28: {  	s2 =	sld [smem:$0x3FAC]  }
0x29: {  	s4 =	sld [smem:$0x3FAE]  }
0x2a: {  	p0 =	seq.s32 s5, $0x0;
	s5 =	sld [smem:$0x3FAF]  }
0x2b: {  	s6 =	sld [smem:$0x3FB0]  }
0x2c: {  	s7 =	sld [smem:$0x3FB1]  }
0x2d: {  	s3 =	simm.s32 $0x108;
	s8 =	sld [smem:$0x3FB2]  }
0x2e: {  	s3 =	simm.s32 @!p0 $0x1082;
	s9 =	sld [smem:$0x3FB3]  }
0x2f: {  	lr =	sadd.s32 s0, s3;
	s0 =	sld [smem:$0x3FAA]  }
0x30: {  	s3 =	sld [smem:$0x3FAD]  }
0x31: {  	[smem:$0x3FB6] =	sst s10  }
0x32: {  	s10 =	sld [smem:$0x3FB4];
	_ =	sdelay $0x3  }
0x33: {  	p0 =	seq.s32 s10, $0x1;
	s10 =	sld [smem:$0x3FB6];
	_ =	sdelay $0x3  }
0x34: {  	[smem:$0x3FB6] =	sst s10  }
0x35: {  	s10 =	sld [smem:$0x3FB5];
	_ =	sdelay $0x3  }
0x36: {  	p1 =	seq.s32 s10, $0x1;
	s10 =	sld [smem:$0x3FB6];
	_ =	sdelay $0x3  }
0x37: {  	[smem:$0x3FB6] =	sst s10  }
0x38: {  	s10 =	sld [smem:$0x3FB7]  }
0x39: {  	_ = 	snop;
	(pc) =	sbr.ind lr, $3  }
0x3a: {  	_ = 	snop  }
0x3b: {  	_ = 	snop  }
0x3c: {  	p2 =	seq.s32 s10, $0x1;
	s10 =	sld [smem:$0x3FB6]  }
0x3d: {  	_ =	shalt  }
0x3e: {  	_ =	shalt  }
0x3f: {  	_ =	shalt  }
0x40: {  	_ =	shalt  }
0x41: {  	_ =	shalt  }
0x42: {  	_ =	shalt  }
0x43: {  	_ =	shalt  }
0x44: {  	_ =	shalt  }
0x45: {  	_ =	shalt  }
0x46: {  	_ =	shalt  }
0x47: {  	_ =	shalt  }
0x48: {  	_ =	shalt  }
0x49: {  	_ =	shalt  }
0x4a: {  	_ =	shalt  }
0x4b: {  	_ =	shalt  }
0x4c: {  	_ =	shalt  }
0x4d: {  	_ =	shalt  }
0x4e: {  	_ =	shalt  }
0x4f: {  	_ =	shalt  }
0x50: {  	_ =	shalt  }
0x51: {  	_ =	shalt  }
0x52: {  	_ =	shalt  }
0x53: {  	_ =	shalt  }
0x54: {  	_ =	shalt  }
0x55: {  	_ =	shalt  }
0x56: {  	_ =	shalt  }
0x57: {  	_ =	shalt  }
0x58: {  	_ =	shalt  }
0x59: {  	_ =	shalt  }
0x5a: {  	_ =	shalt  }
0x5b: {  	_ =	shalt  }
0x5c: {  	_ =	shalt  }
0x5d: {  	_ =	shalt  }
0x5e: {  	_ =	shalt  }
0x5f: {  	_ =	shalt  }
0x60: {  	_ =	shalt  }
0x61: {  	_ =	shalt  }
0x62: {  	_ =	shalt  }
0x63: {  	_ =	shalt  }
0x64: {  	_ =	shalt  }
0x65: {  	_ =	shalt  }
0x66: {  	_ =	shalt  }
0x67: {  	_ =	shalt  }
0x68: {  	_ =	shalt  }
0x69: {  	_ =	shalt  }
0x6a: {  	_ =	shalt  }
0x6b: {  	_ =	shalt  }
0x6c: {  	_ =	shalt  }
0x6d: {  	_ =	shalt  }
0x6e: {  	_ =	shalt  }
0x6f: {  	_ =	shalt  }
0x70: {  	_ =	shalt  }
0x71: {  	_ =	shalt  }
0x72: {  	_ =	shalt  }
0x73: {  	_ =	shalt  }
0x74: {  	_ =	shalt  }
0x75: {  	_ =	shalt  }
0x76: {  	_ =	shalt  }
0x77: {  	_ =	shalt  }
0x78: {  	_ =	shalt  }
0x79: {  	_ =	shalt  }
0x7a: {  	_ =	shalt  }
0x7b: {  	_ =	shalt  }
0x7c: {  	_ =	shalt  }
0x7d: {  	_ =	shalt  }
0x7e: {  	_ =	shalt  }
0x7f: {  	_ =	shalt  }
0x80: {  	_ =	shalt  }
0x81: {  	_ =	shalt  }
0x82: {  	_ =	shalt  }
0x83: {  	_ =	shalt  }
0x84: {  	_ =	shalt  }
0x85: {  	_ =	shalt  }
0x86: {  	_ =	shalt  }
0x87: {  	_ =	shalt  }
.Lfunc_end0:
.L_simem_size_0:
called_computation.2_lowered:
.L_overlay_start_0:
0x88: {  	s2 =	sld [smem:$0x3FD9]  }
0x89: {  	s3 =	sld [smem:$0x3FFE];
	_ =	sdelay $0x1  }
0x8a: {  	s1 =	srdreg.scid  }
0x8b: {  	s0 =	sand.u32 $0x1, s1  }
0x8c: {  	s16 =	sshll.u32 s0, $0xA;
	s2 =	sadd.s32 s3, s2  }
0x8d: {  	s2 =	sadd.s32 s2, s16  }
0x8e: {  	[smem:$0x3FC2] =	sst s2  }
0x8f: {  	_ = 	snop  }
0x90: {  	(tm) =	ssettm $0x1  }
0x91: {  	s17 =	sld [smem:$0x3FFB];
	_ =	sdelay $0x3  }
0x92: {  	_ =	strace s17  }
0x93: {  	s2 =	sld [smem:$0x3FFC];
	_ =	sdelay $0x3  }
0x94: {  	_ =	strace s2  }
0x95: {  	s2 =	sld [smem:$0x3FFD];
	_ =	sdelay $0x3  }
0x96: {  	_ =	strace s2  }
0x97: {  	_ =	strace $0x8FFFFFFF  }
0x98: {  	s18 =	sld [smem:$0x3FDB];
	_ =	sdelay $0x1  }
0x99: {  	s19 =	simm.s32 $_scs_section_size  }
0x9a: {  	s4 =	simm.s32 $_size__tile_overlayer_lowered;
	s5 =	simm.s32 $_tile_overlayer_lowered  }
0x9b: {  	s22 =	simm.s32 $0x1BFF;
	s21 =	sshll.u32 s5, $0x1;
	s2 =	sadd.s32 s19, s18  }
0x9c: {  	s6 =	simm.s32 $0x0;
	s20 =	sshll.u32 s4, $0x1;
	s4 =	sadd.s32 s21, s2  }
0x9d: {  	[timem:s6], [sflag:s22] =	dma.local [hbm:s4], s20  }
0x9e: {  	_ =	swait.ge [sflag:s22], s20  }
0x9f: {  	s3 =	ssub.s32 $0x0, s20;
	[sflag:s22] =	ssyncset.done $0x0  }
0xa0: {  	[sflag:s22] =	ssyncadd.s32 s3;
	_ =	sdelay $0x1  }
0xa1: {  	s23 =	simm.s32 $0x1B8B  }
0xa2: {  	_ =	swait.ge [sflag:s23], $0x1  }
0xa3: {  	[sflag:s23] =	ssyncset.done $0x0  }
0xa4: {  	s25 =	simm.s32 $0x1B8E;
	s24 =	sld [smem:$0x3FFE];
	[sflag:s23] =	ssyncadd.s32 $0xFFFFFFFF  }
0xa5: {  	s26 =	simm.s32 $execute0_lowered;
	[smem:$0x3FD2] =	sst s25  }
0xa6: {  	s4 =	sshll.u32 s26, $0x1;
	_ =	strace $0x8000004C;
	[dreg:$0x1] =	wrdreg $0xFFFFFFFF  }
0xa7: {  	s28 =	simm.s32 $_size_execute0_lowered;
	s2 =	sadd.s32 s2, s4;
	[dreg:$0x0] =	wrdreg $0x0  }
0xa8: {  	s4 =	sshll.u32 s28, $0x1;
	[dreg:$0x2] =	wrdreg s2  }
0xa9: {  	[dreg:$0x3] =	wrdreg s4  }
0xaa: {  	[dreg:$0x4] =	wrdreg $0xC0  }
0xab: {  	_ =	task [dreg:s6], $0x5FFFF  }
0xac: {  	[dreg:$0x1] =	wrdreg $0xFFFFFFFF  }
0xad: {  	[dreg:$0x0] =	wrdreg $0x60  }
0xae: {  	[dreg:$0x2] =	wrdreg s24  }
0xaf: {  	[dreg:$0x3] =	wrdreg $0x68800  }
0xb0: {  	[dreg:$0x4] =	wrdreg $0x9  }
0xb1: {  	_ =	task.clear_ibuf [dreg:s6], $0x5FFFF;
	_ =	strace $0x9000004C  }
0xb2: {  	s29 =	simm.s32 $0x9;
	_ =	strace $0x8000004E  }
0xb3: {  	_ =	swait.ge [sflag:s29], $0x1  }
0xb4: {  	[sflag:s29] =	ssyncadd.s32 $0xFFFFFFFF  }
0xb5: {  	_ =	strace $0x9000004E  }
0xb6: {  	_ =	sfence  }
0xb7: {  	s30 =	sld [smem:$0x0];
	_ =	sdelay $0x2  }
0xb8: {  	s31 =	sshll.u32 s1, $0xD;
	s1 =	sshrl.u32 s1, $0x2  }
0xb9: {  	s3 =	sand.u32 $0x4000, s31;
	s1 =	sadd.s32 s1, s30  }
0xba: {  	s0 =	sor.u32 s3, s0;
	s1 =	sshll.u32 s1, $0x11  }
0xbb: {  	s0 =	sor.u32 s1, s0  }
0xbc: {  	s0 =	sadd.s32 $0x8F2B, s0  }
0xbd: {  	[sflag:s0] =	ssyncadd.remote.s32 $0x1  }
0xbe: {  	_ =	sfence.sel $0xFFFF  }
0xbf: {  	[dreg:$0x0] =	wrdreg $0xFFFFFFFF;
	(pc) =	sbr.abs _section_cstart, $3  }
0xc0: {  	[dreg:$0x1] =	wrdreg $0xFFFFFFFF  }
0xc1: {  	_ =	task.clear_ibuf [dreg:s6], $0x2FFFF;
	_ =	strace $0x9FFFFFFF  }
0xc2: {  	(tm) =	ssettm $0x7FFFFFFF  }
0xc3: {  	_ =	shalt  }
tec
execute0_lowered:
.L_overlay_start_1:
0x0: {  	(tag) =	ssettag $0x1  }
0x1: {  	s6 =	rddreg [dreg:$0x0]  }
0x2: {  	s0 =	srdreg.scid;
	s2 =	rddreg [dreg:$0x1];
	s3 =	simm.s32 $0x0  }
0x3: {  	s18 =	simm.s32 $0x2780;
	s8 =	sand.u32 $0x1, s0;
	s0 =	stileid.u32  }
0x4: {  	s19 =	simm.s32 $0x1;
	s20 =	simm.s32 $0x2;
	s7 =	smul.u32 $0xA000, s0  }
0x5: {  	s21 =	simm.s32 $0x80;
	s22 =	simm.s32 $0x3;
	s9 =	smul.u32 $0xA0000, s8  }
0x6: {  	s23 =	simm.s32 $0x0;
	[smem:$0x7FF] =	sst s3;
	s10 =	smul.u32 $0x28000, s0  }
0x7: {  	s5 =	sadd.s32 $0x2200, s6;
	s1 =	sshll.u32 s8, $0x4;
	s16 =	smul.u32 $0x27800, s8  }
0x8: {  	s13 =	ssub.s32 $0x2, s8;
	s17 =	smul.u32 $0x2780, s0;
	s4 =	sor.u32 s0, s1  }
0x9: {  	s1 =	rddreg [dreg:$0x2];
	_ =	strace $0x8000004D;
	s14 =	sshrl.u32 s13, $0x1  }
0xa: {  	s4 =	smul.u32 $0x2780, s4;
	s9 =	sadd.s32 s7, s9;
	s10 =	sshrl.u32 s10, $0x2  }
0xb: {  	s14 =	ssub.s32 s13, s14;
	s31 =	sadd.s32 s17, s16;
	s16 =	simm.s32 $0x2880  }
0xc: {  	s17 =	simm.s32 $0x4;
	s9 =	sshrl.u32 s9, $0x3;
	s10 =	sadd.s32 s10, s2  }
.Ltmp0:
0xd: {  	s14 =	smax.u32 s14, $0x1;
	s12 =	sshrl.u32 s4, $0x3;
	(pc) =	sbr.rel .LBB2_1-.Ltmp0, $4  }
0xe: {  	s4 =	sadd.s32 $0x15E00, s6;
	s15 =	sadd.s32 s9, s6;
	s8 =	sadd.s32 $0x4000, s10  }
0xf: {  	s9 =	sadd.s32 $0x6000, s10;
	s11 =	sadd.s32 s12, s6;
	s6 =	sadd.s32 s7, s2  }
0x10: {  	s7 =	sadd.s32 $0x2000, s10;
	s10 =	sadd.s32 $0x8000, s10;
	s12 =	sadd.s32 s5, s12  }
0x11: {  	v0 =	vimm.f32 $0.0e+00;
	s13 =	sadd.s32 $0x29E00, s15;
	s15 =	sadd.s32 $0x80, s31;
	s11 =	sadd.s32 $0xC000, s11  }
.LBB2_6:
0x12: {  	[spmem:s2] =	stream.indirect.scatter.add.f32 [tilespmem:s28], [sflag:$0x3], $0x40, s29, s21, $0xb8;
	[tilespmem:$0x10880] =	vst v63  }
0x13: {  	_ =	swait.ge [sflag:s22], $0x2000  }
0x14: {  	s24 =	sshll.u32 s0, $0x6;
	s23 =	sadd.s32 $0x1, s23;
	[sflag:s22] =	ssyncset.done $0x0  }
0x15: {  	s25 =	sshrl.u32 s6, $0x3;
	p0 =	sne.s32 s23, s14;
	[sflag:s22] =	ssyncadd.s32 $0xFFFFE000  }
.Ltmp1:
0x16: {  	s24 =	sor.u32 $0x1C04, s24;
	[bflag:$0x0] =	sbarrier.arrive $0xFFFF;
	(pc) =	sbr.rel @!p0 .LBB2_7-.Ltmp1, $4  }
0x17: {  	[hbm:s13], [sflag:s24] =	dma.local [spmem:s25], $0x1400  }
0x18: {  	_ =	swait.ge [sflag:s17], $0x1400  }
0x19: {  	[sflag:s17] =	ssyncset.done $0x0  }
0x1a: {  	[sflag:s17] =	ssyncadd.s32 $0xFFFFEC00  }
.LBB2_1:
0x1b: {  	s24 =	sand.u32 $0x7F00, s3  }
0x1c: {  	s25 =	sand.u32 $0x30, s3;
	s26 =	sshrl.u32 s24, $0x2  }
0x1d: {  	s24 =	simm.s32 $0x40;
	s26 =	sor.u32 s25, s26;
	s25 =	simm.s32 $0x0  }
.LBB2_2:
0x1e: {  	p0 =	sne.s32 s24, $0x7FC0  }
0x1f: {  	[tilespmem:s26+$0x2880] =	vst v0;
	s25 =	sadd.s32 $0x10, s25;
	s26 =	smov.u32 s24;
	s24 =	sadd.s32 $0x40, s24  }
.Ltmp2:
0x20: {  	(pc) =	sbr.rel @p0 .LBB2_2-.Ltmp2, $4  }
0x21: {  	_ = 	snop  }
0x22: {  	s26 =	sand.u32 $0x7F00, s26  }
0x23: {  	s28 =	sand.u32 $0x30, s25;
	s26 =	sshrl.u32 s26, $0x2  }
0x24: {  	s26 =	sor.u32 s28, s26  }
0x25: {  	[tilespmem:s26+$0x2880] =	vst v0  }
0x26: {  	[spmem:s6] =	stream.linear.scatter [tilespmem:s16], [sflag:$0x4], $0x2000, $0x38;
	[tilespmem:$0x10880] =	vst v63  }
0x27: {  	_ =	swait.ge [sflag:s17], $0x2000  }
0x28: {  	[sflag:s17] =	ssyncset.done $0x0  }
0x29: {  	[sflag:s17] =	ssyncadd.s32 $0xFFFFE000  }
0x2a: {  	[spmem:s7] =	stream.linear.scatter [tilespmem:s16], [sflag:$0x4], $0x2000, $0x38;
	[tilespmem:$0x10880] =	vst v63  }
0x2b: {  	_ =	swait.ge [sflag:s17], $0x2000  }
0x2c: {  	[sflag:s17] =	ssyncset.done $0x0  }
0x2d: {  	[sflag:s17] =	ssyncadd.s32 $0xFFFFE000  }
0x2e: {  	[spmem:s8] =	stream.linear.scatter [tilespmem:s16], [sflag:$0x4], $0x2000, $0x38;
	[tilespmem:$0x10880] =	vst v63  }
0x2f: {  	_ =	swait.ge [sflag:s17], $0x2000  }
0x30: {  	[sflag:s17] =	ssyncset.done $0x0  }
0x31: {  	[sflag:s17] =	ssyncadd.s32 $0xFFFFE000  }
0x32: {  	[spmem:s9] =	stream.linear.scatter [tilespmem:s16], [sflag:$0x4], $0x2000, $0x38;
	[tilespmem:$0x10880] =	vst v63  }
0x33: {  	_ =	swait.ge [sflag:s17], $0x2000  }
0x34: {  	[sflag:s17] =	ssyncset.done $0x0  }
0x35: {  	[sflag:s17] =	ssyncadd.s32 $0xFFFFE000  }
0x36: {  	[spmem:s10] =	stream.linear.scatter [tilespmem:s16], [sflag:$0x4], $0x2000, $0x38;
	[tilespmem:$0x10880] =	vst v63  }
0x37: {  	_ =	swait.ge [sflag:s17], $0x2000  }
0x38: {  	[sflag:s17] =	ssyncset.done $0x0  }
0x39: {  	[sflag:s17] =	ssyncadd.s32 $0xFFFFE000  }
0x3a: {  	s24 =	simm.s32 $0x0;
	[bflag:$0x0] =	sbarrier.arrive $0xFFFF  }
0x3b: {  	[tilespmem:s24], [sflag:$0x4] =	stream.linear.gather [hbm4b:s11+s24], $0x2780, $0x38;
	[tilespmem:$0x10880] =	vst v63  }
0x3c: {  	_ =	swait.ge [sflag:s17], $0x2780  }
0x3d: {  	[sflag:s17] =	ssyncset.done $0x0  }
0x3e: {  	s25 =	simm.s32 $0x80;
	[sflag:s17] =	ssyncadd.s32 $0xFFFFD880  }
0x3f: {  	[tilespmem:s16], [sflag:$0x1] =	stream.indirect.gather [hbm4b:s4+s25], $0x40, s24, s25, $0xb8;
	[tilespmem:$0x10880] =	vst v63  }
0x40: {  	s26 =	smov.u32 s15  }
0x41: {  	[tilespmem:s18], [sflag:$0x2] =	stream.linear.gather [hbm4b:s12+s24], $0x80, $0x38;
	[tilespmem:$0x10880] =	vst v63  }
.LBB2_4:
0x42: {  	_ =	swait.ge [sflag:s19], $0x2000  }
0x43: {  	p0 =	seq.s32 s24, $0x0;
	[sflag:s19] =	ssyncset.done $0x0  }
0x44: {  	p1 =	seq.s32 @!p0 s24, $0x4E;
	[sflag:s19] =	ssyncadd.s32 $0xFFFFE000  }
0x45: {  	p1 =	por p0, !p1;
	_ =	swait.ge [sflag:s20], $0x80  }
.Ltmp3:
0x46: {  	[sflag:s20] =	ssyncset.done $0x0;
	(pc) =	sbr.rel @!p1 .LBB2_6-.Ltmp3, $4  }
0x47: {  	s31 =	simm.s32 @!p0 $0x3;
	[sflag:s20] =	ssyncadd.s32 $0xFFFFFF80  }
0x48: {  	s30 =	sand.u32 $0x1, s24;
	_ =	swait.ge @!p0 [sflag:s31], $0x2000  }
0x49: {  	s28 =	sshll.u32 s30, $0xD;
	s29 =	sshll.u32 s30, $0x7;
	[sflag:s31] =	ssyncset.done @!p0 $0x0  }
0x4a: {  	s28 =	sadd.s32 $0x2880, s28;
	s29 =	sadd.s32 $0x2780, s29;
	[sflag:s31] =	ssyncadd.s32 @!p0 $0xFFFFE000  }
0x4b: {  	s30 =	sxor.u32 $0x1, s30  }
0x4c: {  	s31 =	sshll.u32 s30, $0xD  }
0x4d: {  	s31 =	sadd.s32 $0x2880, s31  }
0x4e: {  	[tilespmem:s31], [sflag:$0x1] =	stream.indirect.gather [hbm4b:s4+s21], $0x40, s25, s21, $0xb8;
	[tilespmem:$0x10880] =	vst v63  }
.Ltmp4:
0x4f: {  	s30 =	sshll.u32 s30, $0x7;
	s31 =	sshrl.u32 s26, $0x3;
	(pc) =	sbr.rel .LBB2_4-.Ltmp4, $4  }
0x50: {  	s30 =	sadd.s32 $0x2780, s30;
	s31 =	sadd.s32 s5, s31  }
0x51: {  	[tilespmem:s30], [sflag:$0x2] =	stream.linear.gather [hbm4b:s31+s3], $0x80, $0x38;
	[tilespmem:$0x10880] =	vst v63  }
0x52: {  	s24 =	sadd.s32 $0x1, s24;
	s25 =	sadd.s32 $0x80, s25;
	s26 =	sadd.s32 $0x80, s26  }
0x53: {  	[spmem:s2] =	stream.indirect.scatter.add.f32 [tilespmem:s28], [sflag:$0x3], $0x40, s29, s21, $0xb8;
	[tilespmem:$0x10880] =	vst v63  }
.LBB2_7:
0x54: {  	_ =	sfence.sel $0x180000  }
0x55: {  	[bflag:$0x0] =	sbarrier.arrive $0xFFFF  }
0x56: {  	p0 =	sne.s32 s0, $0x0;
	_ =	strace $0x9000004D  }
0x57: {  	s0 =	sadd.s32 @!p0 $0x100000, s1;
	[bflag:$0x2] =	sbarrier.arrive $0xFFFF  }
0x58: {  	[sflag:s0] =	ssyncadd.tile.s32 @!p0 $0x1;
	_ =	shalt  }
.Lfunc_end2:
_tile_overlayer_lowered:
.L_overlay_start_2:
0x59: {  	(tag) =	ssettag $0x2  }
0x5a: {  	s0 =	rddreg [dreg:$0x0];
	s2 =	stileid.u32  }
0x5b: {  	s1 =	rddreg [dreg:$0x1];
	p0 =	sne.s32 s2, $0x0  }
0x5c: {  	s3 =	rddreg [dreg:$0x2];
	[bflag:$0x3] =	sbarrier.arrive $0xFFFF;
	s2 =	simm.s32 @!p0 $0x1C04  }
0x5d: {  	[timem:s3], [sflag:s2] =	dma.local @!p0 [hbm:s0], s1  }
0x5e: {  	s0 =	simm.s32 @!p0 $0x4  }
0x5f: {  	_ =	swait.ge @!p0 [sflag:s0], s1  }
0x60: {  	s1 =	ssub.s32 @!p0 $0x0, s1;
	[sflag:s0] =	ssyncset.done @!p0 $0x0  }
0x61: {  	[sflag:s0] =	ssyncadd.s32 @!p0 s1  }
0x62: {  	[bflag:$0x3] =	sbarrier.arrive $0xFFFF  }
0x63: {  	_ =	shalt  }

// kernel: kernel.8.cloned.1.call-start
scs
__scs_entry_jumppad:
0x0: {  	(pc) =	sbr.rel $0x88, $3  }
0x1: {  	(tag) =	ssettag $0x0;
	lr =	simm.s32 $0x1  }
0x2: {  	[smem:$0x3F9B] =	sst lr;
	_ =	strace $0xD0000000  }
0x3: {  	_ = 	snop  }
0x4: {  	_ = 	snop  }
0x5: {  	_ = 	snop  }
0x6: {  	_ = 	snop  }
0x7: {  	_ = 	snop  }
__scs_overlays_trampoline_lowered:
0x8: {  	[smem:$0x3FAA] =	sst s0  }
0x9: {  	[smem:$0x3FAB] =	sst s1  }
0xa: {  	[smem:$0x3FAC] =	sst s2  }
0xb: {  	[smem:$0x3FAD] =	sst s3  }
0xc: {  	[smem:$0x3FAE] =	sst s4  }
0xd: {  	[smem:$0x3FAF] =	sst s5  }
0xe: {  	[smem:$0x3FB0] =	sst s6  }
0xf: {  	[smem:$0x3FB1] =	sst s7  }
0x10: {  	[smem:$0x3FB2] =	sst s8  }
0x11: {  	[smem:$0x3FB3] =	sst s9;
	s0 =	simm.s32 @!p0 $0x0  }
0x12: {  	s1 =	sld [smem:$0x3F99];
	s0 =	simm.s32 @p0 $0x1  }
0x13: {  	[smem:$0x3FB4] =	sst s0;
	s0 =	simm.s32 @!p1 $0x0  }
0x14: {  	s2 =	sld [smem:$0x3F98];
	s0 =	simm.s32 @p1 $0x1  }
0x15: {  	[smem:$0x3FB5] =	sst s0;
	s0 =	simm.s32 @!p2 $0x0  }
0x16: {  	s3 =	sld [smem:$0x3FDB];
	s0 =	simm.s32 @p2 $0x1  }
0x17: {  	s4 =	simm.s32 $0x1BF5;
	[smem:$0x3FB7] =	sst s0  }
0x18: {  	s0 =	sld [smem:$0x3F9A];
	_ =	swait.ge [sflag:s4], $0x0  }
0x19: {  	s7 =	sld [smem:$0x3F9B]  }
0x1a: {  	s8 =	sadd.s32 $0xFFFFE003, lr  }
0x1b: {  	s9 =	sadd.s32 $0xFFFFFEF7, lr;
	s5 =	simm.s32 $0xFFFFFFFF;
	p2 =	slt.u32 s8, $0xFFFFF086  }
0x1c: {  	p1 =	slt.u32 s9, $0xF7A;
	s5 =	simm.s32 @!p2 $0x0  }
0x1d: {  	s5 =	simm.s32 @p1 $0x1;
	p0 =	seq.s32 s7, s2  }
0x1e: {  	s7 =	smul.u32 @!p0 $0xF7A, s2;
	p2 =	seq.s32 @!p0 s5, $0x0  }
0x1f: {  	s9 =	smul.u32 $0xF7A, s1;
	s8 =	simm.s32 @!p0 $0x1BF5;
	p2 =	por !p2, p0  }
0x20: {  	[sflag:s8] =	ssyncset.s32 @!p0 $0xFFFFF086;
	s6 =	sadd.s32 @!p0 s3, s7;
	s7 =	simm.s32 @!p0 $0x108  }
0x21: {  	s3 =	sadd.s32 s3, s9;
	s6 =	sadd.s32 @!p0 $0x88, s6;
	s7 =	simm.s32 @p2 $0x1082  }
0x22: {  	[simem:s7], [sflag:s8] =	dma.local @!p0 [hbm:s6], $0xF7A  }
0x23: {  	s9 =	sor.u32 $0xD0000000, s2;
	s6 =	simm.s32 $0x108;
	_ =	swait.ge @!p0 [sflag:s8], $0x0  }
0x24: {  	s3 =	sadd.s32 $0x88, s3;
	s6 =	simm.s32 @!p1 $0x1082;
	[sflag:s4] =	ssyncset.s32 $0xFFFFF086  }
0x25: {  	[simem:s6], [sflag:s4] =	dma.local [hbm:s3], $0xF7A  }
0x26: {  	[smem:$0x3F9B] =	sst s1;
	(tag) =	ssettag s2;
	_ =	strace s9  }
0x27: {  	s1 =	sld [smem:$0x3FAB]  }
0x28: {  	s2 =	sld [smem:$0x3FAC]  }
0x29: {  	s4 =	sld [smem:$0x3FAE]  }
0x2a: {  	p0 =	seq.s32 s5, $0x0;
	s5 =	sld [smem:$0x3FAF]  }
0x2b: {  	s6 =	sld [smem:$0x3FB0]  }
0x2c: {  	s7 =	sld [smem:$0x3FB1]  }
0x2d: {  	s3 =	simm.s32 $0x108;
	s8 =	sld [smem:$0x3FB2]  }
0x2e: {  	s3 =	simm.s32 @!p0 $0x1082;
	s9 =	sld [smem:$0x3FB3]  }
0x2f: {  	lr =	sadd.s32 s0, s3;
	s0 =	sld [smem:$0x3FAA]  }
0x30: {  	s3 =	sld [smem:$0x3FAD]  }
0x31: {  	[smem:$0x3FB6] =	sst s10  }
0x32: {  	s10 =	sld [smem:$0x3FB4];
	_ =	sdelay $0x3  }
0x33: {  	p0 =	seq.s32 s10, $0x1;
	s10 =	sld [smem:$0x3FB6];
	_ =	sdelay $0x3  }
0x34: {  	[smem:$0x3FB6] =	sst s10  }
0x35: {  	s10 =	sld [smem:$0x3FB5];
	_ =	sdelay $0x3  }
0x36: {  	p1 =	seq.s32 s10, $0x1;
	s10 =	sld [smem:$0x3FB6];
	_ =	sdelay $0x3  }
0x37: {  	[smem:$0x3FB6] =	sst s10  }
0x38: {  	s10 =	sld [smem:$0x3FB7]  }
0x39: {  	_ = 	snop;
	(pc) =	sbr.ind lr, $3  }
0x3a: {  	_ = 	snop  }
0x3b: {  	_ = 	snop  }
0x3c: {  	p2 =	seq.s32 s10, $0x1;
	s10 =	sld [smem:$0x3FB6]  }
0x3d: {  	_ =	shalt  }
0x3e: {  	_ =	shalt  }
0x3f: {  	_ =	shalt  }
0x40: {  	_ =	shalt  }
0x41: {  	_ =	shalt  }
0x42: {  	_ =	shalt  }
0x43: {  	_ =	shalt  }
0x44: {  	_ =	shalt  }
0x45: {  	_ =	shalt  }
0x46: {  	_ =	shalt  }
0x47: {  	_ =	shalt  }
0x48: {  	_ =	shalt  }
0x49: {  	_ =	shalt  }
0x4a: {  	_ =	shalt  }
0x4b: {  	_ =	shalt  }
0x4c: {  	_ =	shalt  }
0x4d: {  	_ =	shalt  }
0x4e: {  	_ =	shalt  }
0x4f: {  	_ =	shalt  }
0x50: {  	_ =	shalt  }
0x51: {  	_ =	shalt  }
0x52: {  	_ =	shalt  }
0x53: {  	_ =	shalt  }
0x54: {  	_ =	shalt  }
0x55: {  	_ =	shalt  }
0x56: {  	_ =	shalt  }
0x57: {  	_ =	shalt  }
0x58: {  	_ =	shalt  }
0x59: {  	_ =	shalt  }
0x5a: {  	_ =	shalt  }
0x5b: {  	_ =	shalt  }
0x5c: {  	_ =	shalt  }
0x5d: {  	_ =	shalt  }
0x5e: {  	_ =	shalt  }
0x5f: {  	_ =	shalt  }
0x60: {  	_ =	shalt  }
0x61: {  	_ =	shalt  }
0x62: {  	_ =	shalt  }
0x63: {  	_ =	shalt  }
0x64: {  	_ =	shalt  }
0x65: {  	_ =	shalt  }
0x66: {  	_ =	shalt  }
0x67: {  	_ =	shalt  }
0x68: {  	_ =	shalt  }
0x69: {  	_ =	shalt  }
0x6a: {  	_ =	shalt  }
0x6b: {  	_ =	shalt  }
0x6c: {  	_ =	shalt  }
0x6d: {  	_ =	shalt  }
0x6e: {  	_ =	shalt  }
0x6f: {  	_ =	shalt  }
0x70: {  	_ =	shalt  }
0x71: {  	_ =	shalt  }
0x72: {  	_ =	shalt  }
0x73: {  	_ =	shalt  }
0x74: {  	_ =	shalt  }
0x75: {  	_ =	shalt  }
0x76: {  	_ =	shalt  }
0x77: {  	_ =	shalt  }
0x78: {  	_ =	shalt  }
0x79: {  	_ =	shalt  }
0x7a: {  	_ =	shalt  }
0x7b: {  	_ =	shalt  }
0x7c: {  	_ =	shalt  }
0x7d: {  	_ =	shalt  }
0x7e: {  	_ =	shalt  }
0x7f: {  	_ =	shalt  }
0x80: {  	_ =	shalt  }
0x81: {  	_ =	shalt  }
0x82: {  	_ =	shalt  }
0x83: {  	_ =	shalt  }
0x84: {  	_ =	shalt  }
0x85: {  	_ =	shalt  }
0x86: {  	_ =	shalt  }
0x87: {  	_ =	shalt  }
.Lfunc_end0:
.L_simem_size_0:
called_computation_lowered:
.L_overlay_start_0:
0x88: {  	s2 =	sld [smem:$0x3FD9]  }
0x89: {  	s3 =	sld [smem:$0x3FFE];
	_ =	sdelay $0x1  }
0x8a: {  	s1 =	srdreg.scid  }
0x8b: {  	s0 =	sand.u32 $0x1, s1  }
0x8c: {  	s17 =	sshll.u32 s0, $0xA;
	s2 =	sadd.s32 s3, s2  }
0x8d: {  	s2 =	sadd.s32 s2, s17  }
0x8e: {  	[smem:$0x3FC2] =	sst s2  }
0x8f: {  	_ = 	snop  }
0x90: {  	s2 =	sld [smem:$0x3FD0];
	(tm) =	ssettm $0x1  }
0x91: {  	s18 =	sld [smem:$0x3FFB];
	_ =	sdelay $0x3  }
0x92: {  	_ =	strace s18  }
0x93: {  	s3 =	sld [smem:$0x3FFC];
	_ =	sdelay $0x3  }
0x94: {  	_ =	strace s3  }
0x95: {  	s3 =	sld [smem:$0x3FFD];
	_ =	sdelay $0x3  }
0x96: {  	_ =	strace s3  }
0x97: {  	_ =	strace $0x8FFFFFFF  }
0x98: {  	s19 =	sld [smem:$0x3FDB];
	_ =	sdelay $0x1  }
0x99: {  	s4 =	simm.s32 $_scs_section_size  }
0x9a: {  	s5 =	simm.s32 $_size__tile_overlayer_lowered;
	s6 =	simm.s32 $_tile_overlayer_lowered  }
0x9b: {  	s22 =	simm.s32 $0x1BFF;
	s21 =	sshll.u32 s6, $0x1;
	s3 =	sadd.s32 s4, s19  }
0x9c: {  	s7 =	simm.s32 $0x0;
	s20 =	sshll.u32 s5, $0x1;
	s5 =	sadd.s32 s21, s3  }
0x9d: {  	[timem:s7], [sflag:s22] =	dma.local [hbm:s5], s20  }
0x9e: {  	_ =	swait.ge [sflag:s22], s20  }
0x9f: {  	s4 =	ssub.s32 $0x0, s20;
	[sflag:s22] =	ssyncset.done $0x0  }
0xa0: {  	[sflag:s22] =	ssyncadd.s32 s4;
	_ =	sdelay $0x1  }
0xa1: {  	s23 =	simm.s32 $0x1B8B  }
0xa2: {  	_ =	swait.ge [sflag:s23], $0x1  }
0xa3: {  	[sflag:s23] =	ssyncset.done $0x0  }
0xa4: {  	s25 =	simm.s32 $0x1B8E;
	s24 =	sld [smem:$0x3FFE];
	[sflag:s23] =	ssyncadd.s32 $0xFFFFFFFF  }
0xa5: {  	s26 =	simm.s32 $execute0_lowered;
	[smem:$0x3FD2] =	sst s25  }
0xa6: {  	s5 =	sshll.u32 s26, $0x1;
	_ =	strace $0x80000046;
	[dreg:$0x1] =	wrdreg $0xFFFFFFFF  }
0xa7: {  	s28 =	simm.s32 $_size_execute0_lowered;
	s3 =	sadd.s32 s3, s5;
	[dreg:$0x0] =	wrdreg $0x0  }
0xa8: {  	s5 =	sshll.u32 s28, $0x1;
	[dreg:$0x2] =	wrdreg s3  }
0xa9: {  	[dreg:$0x3] =	wrdreg s5  }
0xaa: {  	[dreg:$0x4] =	wrdreg $0xC0  }
0xab: {  	_ =	task [dreg:s7], $0x5FFFF  }
0xac: {  	[dreg:$0x1] =	wrdreg $0xFFFFFFFF  }
0xad: {  	[dreg:$0x0] =	wrdreg $0x60  }
0xae: {  	[dreg:$0x2] =	wrdreg s2  }
0xaf: {  	[dreg:$0x3] =	wrdreg s24  }
0xb0: {  	[dreg:$0x4] =	wrdreg $0x2B000  }
0xb1: {  	[dreg:$0x5] =	wrdreg $0x9  }
0xb2: {  	_ =	task.clear_ibuf [dreg:s7], $0x6FFFF;
	_ =	strace $0x90000046  }
0xb3: {  	s29 =	simm.s32 $0x9;
	_ =	strace $0x80000048  }
0xb4: {  	_ =	swait.ge [sflag:s29], $0x1  }
0xb5: {  	[sflag:s29] =	ssyncadd.s32 $0xFFFFFFFF  }
0xb6: {  	_ =	strace $0x90000048  }
0xb7: {  	_ =	sfence  }
0xb8: {  	s30 =	sld [smem:$0x0];
	_ =	sdelay $0x2  }
0xb9: {  	s31 =	sshll.u32 s1, $0xD;
	s1 =	sshrl.u32 s1, $0x2  }
0xba: {  	s3 =	sand.u32 $0x4000, s31;
	s1 =	sadd.s32 s1, s30  }
0xbb: {  	s0 =	sor.u32 s3, s0;
	s1 =	sshll.u32 s1, $0x11  }
0xbc: {  	s0 =	sor.u32 s1, s0  }
0xbd: {  	s0 =	sadd.s32 $0x8F2B, s0  }
0xbe: {  	[sflag:s0] =	ssyncadd.remote.s32 $0x1  }
0xbf: {  	_ =	sfence.sel $0xFFFF  }
0xc0: {  	[dreg:$0x0] =	wrdreg $0xFFFFFFFF;
	(pc) =	sbr.abs _section_cstart, $3  }
0xc1: {  	[dreg:$0x1] =	wrdreg $0xFFFFFFFF  }
0xc2: {  	_ =	task.clear_ibuf [dreg:s7], $0x2FFFF;
	_ =	strace $0x9FFFFFFF  }
0xc3: {  	(tm) =	ssettm $0x7FFFFFFF  }
tec
execute0_lowered:
.L_overlay_start_1:
0x0: {  	(tag) =	ssettag $0x1  }
0x1: {  	s5 =	rddreg [dreg:$0x0]  }
0x2: {  	s4 =	rddreg [dreg:$0x1]  }
0x3: {  	s2 =	rddreg [dreg:$0x2]  }
0x4: {  	s0 =	rddreg [dreg:$0x3]  }
0x5: {  	s3 =	simm.s32 $0x0;
	s6 =	srdreg.scid;
	s1 =	stileid.u32  }
0x6: {  	s11 =	simm.s32 $0x2800;
	s14 =	simm.s32 $0x20;
	s15 =	simm.s32 $0x10  }
0x7: {  	s16 =	simm.s32 $0x0;
	[smem:$0x7FF] =	sst s3;
	s7 =	smul.u32 $0x500, s1  }
0x8: {  	s6 =	sand.u32 $0x1, s6;
	s30 =	smul.u32 $0xA00, s1;
	s12 =	sshll.u32 s1, $0x6  }
0x9: {  	_ =	strace $0x80000047;
	s8 =	sshll.u32 s6, $0x7;
	s9 =	sshll.u32 s6, $0x4  }
0xa: {  	s6 =	ssub.s32 $0x2, s6;
	s12 =	sor.u32 $0x1C01, s12;
	s7 =	sor.u32 s8, s7  }
0xb: {  	s29 =	sor.u32 s1, s9;
	s31 =	sshrl.u32 s6, $0x1;
	s9 =	sshrl.u32 s30, $0x2  }
0xc: {  	s7 =	sshrl.u32 s7, $0x3;
	s8 =	smul.u32 $0x500, s29;
	s10 =	ssub.s32 s6, s31  }
0xd: {  	s7 =	sadd.s32 s7, s4;
	s4 =	sadd.s32 s9, s2;
	s9 =	simm.s32 $0x1  }
0xe: {  	s5 =	sadd.s32 s5, s8;
	s6 =	sadd.s32 $0x15E00, s7;
	s7 =	smax.u32 s10, $0x1  }
0xf: {  	v0 =	vimm.f32 $0.0e+00;
	v1 =	vimm.f32 $1.000000000e+00;
	s8 =	simm.s32 $0x2880;
	s10 =	simm.s32 $0x80;
	s13 =	sshrl.u32 s4, $0x3  }
.LBB2_1:
0x10: {  	[tilespmem:$0x2880] =	vst v0  }
0x11: {  	[tilespmem:$0x2890] =	vst v0  }
0x12: {  	[tilespmem:$0x28A0] =	vst v0  }
0x13: {  	[tilespmem:$0x28B0] =	vst v0  }
0x14: {  	[tilespmem:$0x28C0] =	vst v0  }
0x15: {  	[tilespmem:$0x28D0] =	vst v0  }
0x16: {  	[tilespmem:$0x28E0] =	vst v0  }
0x17: {  	[tilespmem:$0x28F0] =	vst v0  }
0x18: {  	[tilespmem:$0x2900] =	vst v0  }
0x19: {  	[tilespmem:$0x2910] =	vst v0  }
0x1a: {  	[tilespmem:$0x2920] =	vst v0  }
0x1b: {  	[tilespmem:$0x2930] =	vst v0  }
0x1c: {  	[tilespmem:$0x2940] =	vst v0  }
0x1d: {  	[tilespmem:$0x2950] =	vst v0  }
0x1e: {  	[tilespmem:$0x2960] =	vst v0  }
0x1f: {  	[tilespmem:$0x2970] =	vst v0  }
0x20: {  	[tilespmem:$0x2980] =	vst v0  }
0x21: {  	[tilespmem:$0x2990] =	vst v0  }
0x22: {  	[tilespmem:$0x29A0] =	vst v0  }
0x23: {  	[tilespmem:$0x29B0] =	vst v0  }
0x24: {  	[tilespmem:$0x29C0] =	vst v0  }
0x25: {  	[tilespmem:$0x29D0] =	vst v0  }
0x26: {  	[tilespmem:$0x29E0] =	vst v0  }
0x27: {  	[tilespmem:$0x29F0] =	vst v0  }
0x28: {  	[tilespmem:$0x2A00] =	vst v0  }
0x29: {  	[tilespmem:$0x2A10] =	vst v0  }
0x2a: {  	[tilespmem:$0x2A20] =	vst v0  }
0x2b: {  	[tilespmem:$0x2A30] =	vst v0  }
0x2c: {  	[tilespmem:$0x2A40] =	vst v0  }
0x2d: {  	[tilespmem:$0x2A50] =	vst v0  }
0x2e: {  	[tilespmem:$0x2A60] =	vst v0  }
0x2f: {  	[tilespmem:$0x2A70] =	vst v0  }
0x30: {  	[tilespmem:$0x2A80] =	vst v0  }
0x31: {  	[tilespmem:$0x2A90] =	vst v0  }
0x32: {  	[tilespmem:$0x2AA0] =	vst v0  }
0x33: {  	[tilespmem:$0x2AB0] =	vst v0  }
0x34: {  	[tilespmem:$0x2AC0] =	vst v0  }
0x35: {  	[tilespmem:$0x2AD0] =	vst v0  }
0x36: {  	[tilespmem:$0x2AE0] =	vst v0  }
0x37: {  	[tilespmem:$0x2AF0] =	vst v0  }
0x38: {  	[tilespmem:$0x2800] =	vst v1  }
0x39: {  	[tilespmem:$0x2810] =	vst v1  }
0x3a: {  	[tilespmem:$0x2820] =	vst v1  }
0x3b: {  	[tilespmem:$0x2830] =	vst v1  }
0x3c: {  	[tilespmem:$0x2840] =	vst v1  }
0x3d: {  	[tilespmem:$0x2850] =	vst v1  }
0x3e: {  	[tilespmem:$0x2860] =	vst v1  }
0x3f: {  	[tilespmem:$0x2870] =	vst v1  }
0x40: {  	[spmem:s4] =	stream.linear.scatter [tilespmem:s8], [sflag:$0x1], $0x280, $0x38;
	[tilespmem:$0x2D80] =	vst v63  }
0x41: {  	_ =	swait.ge [sflag:s9], $0x280  }
0x42: {  	[sflag:s9] =	ssyncset.done $0x0  }
0x43: {  	[sflag:s9] =	ssyncadd.s32 $0xFFFFFD80  }
0x44: {  	[bflag:$0x0] =	sbarrier.arrive $0xFFFF  }
0x45: {  	[tilespmem:s3], [sflag:$0x1] =	stream.linear.gather [hbm4b:s5+s3], $0x2780, $0x38;
	[tilespmem:$0x2D80] =	vst v63  }
0x46: {  	_ =	swait.ge [sflag:s9], $0x2780  }
0x47: {  	[sflag:s9] =	ssyncset.done $0x0  }
0x48: {  	s17 =	simm.s32 $0x0;
	[sflag:s9] =	ssyncadd.s32 $0xFFFFD880  }
0x49: {  	[spmem:s2] =	stream.indirect.scatter.add.f32 [tilespmem:s11], [sflag:$0x1], $0x1, s17, s10, $0xb8;
	[tilespmem:$0x2D80] =	vst v63  }
0x4a: {  	_ =	swait.ge [sflag:s9], $0x80  }
0x4b: {  	s17 =	simm.s32 $0x200;
	[sflag:s9] =	ssyncset.done $0x0  }
.LBB2_2:
0x4c: {  	s18 =	sshra.s32 s17, $0x2;
	[sflag:s9] =	ssyncadd.s32 $0xFFFFFF80;
	p0 =	sne.s32 s17, $0x9C00  }
0x4d: {  	[spmem:s2] =	stream.indirect.scatter.add.f32 [tilespmem:s11], [sflag:$0x1], $0x1, s18, s10, $0xb8;
	[tilespmem:$0x2D80] =	vst v63  }
.Ltmp0:
0x4e: {  	_ = 	snop;
	(pc) =	sbr.rel @p0 .LBB2_2-.Ltmp0, $4  }
0x4f: {  	_ = 	snop  }
0x50: {  	s17 =	sadd.s32 $0x200, s17  }
0x51: {  	_ =	swait.ge [sflag:s9], $0x80  }
0x52: {  	[sflag:s9] =	ssyncset.done $0x0  }
0x53: {  	s16 =	sadd.s32 $0x1, s16  }
0x54: {  	[sflag:s9] =	ssyncadd.s32 $0xFFFFFF80;
	p0 =	sne.s32 s16, s7  }
.Ltmp1:
0x55: {  	[bflag:$0x0] =	sbarrier.arrive $0xFFFF;
	(pc) =	sbr.rel @p0 .LBB2_1-.Ltmp1, $4  }
0x56: {  	[hbm:s6@s14], [sflag:s12] =	dma.strided [spmem:s13@s15], $0x50, s9, $0x10   }
0x57: {  	_ =	swait.ge [sflag:s9], $0x50  }
0x58: {  	[sflag:s9] =	ssyncset.done $0x0  }
0x59: {  	[sflag:s9] =	ssyncadd.s32 $0xFFFFFFB0  }
0x5a: {  	_ =	sfence.sel $0x180000  }
0x5b: {  	[bflag:$0x0] =	sbarrier.arrive $0xFFFF  }
0x5c: {  	p0 =	sne.s32 s1, $0x0;
	_ =	strace $0x90000047  }
0x5d: {  	s0 =	sadd.s32 @!p0 $0x100000, s0;
	[bflag:$0x2] =	sbarrier.arrive $0xFFFF  }
0x5e: {  	[sflag:s0] =	ssyncadd.tile.s32 @!p0 $0x1;
	_ =	shalt  }
.Lfunc_end2:
_tile_overlayer_lowered:
.L_overlay_start_2:
0x5f: {  	(tag) =	ssettag $0x2  }
0x60: {  	s0 =	rddreg [dreg:$0x0];
	s2 =	stileid.u32  }
0x61: {  	s1 =	rddreg [dreg:$0x1];
	p0 =	sne.s32 s2, $0x0  }
0x62: {  	s3 =	rddreg [dreg:$0x2];
	[bflag:$0x3] =	sbarrier.arrive $0xFFFF;
	s2 =	simm.s32 @!p0 $0x1C01  }
0x63: {  	[timem:s3], [sflag:s2] =	dma.local @!p0 [hbm:s0], s1  }
0x64: {  	s0 =	simm.s32 @!p0 $0x1  }
0x65: {  	_ =	swait.ge @!p0 [sflag:s0], s1  }
0x66: {  	s1 =	ssub.s32 @!p0 $0x0, s1;
	[sflag:s0] =	ssyncset.done @!p0 $0x0  }
0x67: {  	[sflag:s0] =	ssyncadd.s32 @!p0 s1  }
0x68: {  	[bflag:$0x3] =	sbarrier.arrive $0xFFFF  }
0x69: {  	_ =	shalt  }

</sc_bundles>
